<compile_context>
chip_gen: v7x
topology: tpu7x:2x2x1
jax: 0.10.2.dev20260603
libtpu: 0.0.44.dev20260713+nightly
codegen_flags: <defaults>
</compile_context>

<pallas_src>
import functools

import jax
import jax.numpy as jnp
from jax import lax
from jax.experimental import pallas as pl
from jax.experimental.pallas import tpu as pltpu
from jax.experimental.pallas import tpu_sc as plsc

_B = 4096
_H = 200
_D = 64
_N = _B * _H
_NC = 2
_NS = 16
_NW = _NC * _NS
_PER_W = _N // _NW
_IROW = 128
_KROWS = 4
_CHUNK = _IROW * _KROWS
_NCHUNK = _PER_W // _CHUNK


def _make_gather():
    mesh = plsc.VectorSubcoreMesh(core_axis_name="c", subcore_axis_name="s")

    @functools.partial(
        pl.kernel,
        mesh=mesh,
        out_type=jax.ShapeDtypeStruct((_N, _D), jnp.float32),
        scratch_types=[
            pltpu.VMEM((_PER_W,), jnp.int32),
            pltpu.VMEM((2, _CHUNK, _D), jnp.float32),
            pltpu.SemaphoreType.DMA,
            pltpu.SemaphoreType.DMA,
            pltpu.SemaphoreType.DMA,
            pltpu.SemaphoreType.DMA,
        ],
        compiler_params=pltpu.CompilerParams(use_tc_tiling_on_sc=False),
    )
    def gather_kernel(table_hbm, idx_hbm, out_hbm, idx_v, rows_v, sg0, sg1,
                      ss0, ss1):
        wid = lax.axis_index("s") * _NC + lax.axis_index("c")
        base = wid * _PER_W
        sg = (sg0, sg1)
        ss = (ss0, ss1)

        pltpu.sync_copy(idx_hbm.at[pl.ds(base, _PER_W)], idx_v)

        def start_gather(c, b):
            for j in range(_KROWS):
                pltpu.async_copy(
                    table_hbm.at[idx_v.at[pl.ds(c * _CHUNK + j * _IROW,
                                                _IROW)]],
                    rows_v.at[b, pl.ds(j * _IROW, _IROW)],
                    sg[b],
                )

        def wait_gather(c, b):
            for j in range(_KROWS):
                pltpu.make_async_copy(
                    table_hbm.at[idx_v.at[pl.ds(c * _CHUNK + j * _IROW,
                                                _IROW)]],
                    rows_v.at[b, pl.ds(j * _IROW, _IROW)],
                    sg[b],
                ).wait()

        def start_store(c, b):
            pltpu.async_copy(
                rows_v.at[b], out_hbm.at[pl.ds(base + c * _CHUNK, _CHUNK)],
                ss[b],
            )

        def wait_store(c, b):
            pltpu.make_async_copy(
                rows_v.at[b], out_hbm.at[pl.ds(base + c * _CHUNK, _CHUNK)],
                ss[b],
            ).wait()

        start_gather(0, 0)
        start_gather(1, 1)

        def body(t, carry):
            for b in range(2):
                c = t * 2 + b
                wait_gather(c, b)
                start_store(c, b)
                wait_store(c, b)
                start_gather(c + 2, b)
            return carry

        lax.fori_loop(0, (_NCHUNK - 2) // 2, body, 0)

        for b in range(2):
            c = _NCHUNK - 2 + b
            wait_gather(c, b)
            start_store(c, b)
        for b in range(2):
            wait_store(_NCHUNK - 2 + b, b)

    return gather_kernel


_gather = _make_gather()


def kernel(input_, weight):
    idx = input_.reshape(_N).astype(jnp.int32)
    out = _gather(weight, idx)
    return out.reshape(_B, _H, _D)

# --- scband reference (transcript-rebuilt; emitter-appended) ---
"""Pipeline reference for scband-embedding1-d-12197707121098 (READ-ONLY COPY).

The authoritative reference and input builder live on the scoring server;
editing this copy changes nothing except your own understanding.
"""

import jax, jax.numpy as jnp
import numpy as np

NUM_EMBEDDINGS = 1000000
EMBED_DIM = 64
BATCH = 4096
HIST = 200

def setup_inputs(seed: int = 0) -> dict:
    key = jax.random.key(seed)
    k_idx, k_w = jax.random.split(key)
    input_ = jax.random.randint(k_idx, (BATCH, HIST), 0, NUM_EMBEDDINGS, dtype=jnp.int64 if jax.config.jax_enable_x64 else jnp.int32)
    weight = jax.random.normal(k_w, (NUM_EMBEDDINGS, EMBED_DIM), dtype=jnp.float32) * 0.02
    return {"input_": input_, "weight": weight}

def reference(input_, weight):
    # F.embedding(input_, weight, padding_idx=None) == row gather
    # embed_split_hidden=False and no parallelism -> plain lookup
    output = jnp.take(weight, input_, axis=0)
    return output

if __name__ == "__main__":
    import jax
    _d = setup_inputs()
    print(jax.jit(kernel)(*tuple(_d.values())))

</pallas_src>

<mosaic_0001>
#map = affine_map<(d0, d1) -> (0, 0)>
#map1 = affine_map<(d0, d1) -> (0)>
module attributes {stable_mosaic.version = 14 : i64} {
  func.func @gather_kernel(%arg0: i32, %arg1: i32, %arg2: memref<1000000x64xf32, #tpu.memory_space<hbm>>, %arg3: memref<819200xi32, #tpu.memory_space<hbm>>, %arg4: memref<819200x64xf32, #tpu.memory_space<hbm>>, %arg5: memref<25600xi32, #tpu.memory_space<vmem>>, %arg6: memref<2x512x64xf32, #tpu.memory_space<vmem>>, %arg7: memref<!tpu.dma_semaphore, #tpu.memory_space<semaphore_mem>>, %arg8: memref<!tpu.dma_semaphore, #tpu.memory_space<semaphore_mem>>, %arg9: memref<!tpu.dma_semaphore, #tpu.memory_space<semaphore_mem>>, %arg10: memref<!tpu.dma_semaphore, #tpu.memory_space<semaphore_mem>>) attributes {dimension_semantics = [#tpu.dimension_semantics<core_parallel>, #tpu.dimension_semantics<subcore_parallel>], iteration_bounds = array<i64: 2, 16>, scalar_prefetch = 0 : i64, scratch_operands = 6 : i64, tpu.core_type = #tpu.core_type<sc_vector_subcore>, window_params = [{transform_indices = #map}, {transform_indices = #map1}, {transform_indices = #map}]} {
    %mul3A = arith.constant 2 : i32
    %mul3A_0 = arith.muli %arg1, %mul3A : i32
    %add3A = arith.addi %mul3A_0, %arg0 : i32
    %mul3A_1 = arith.constant 25600 : i32
    %mul3A_2 = arith.muli %add3A, %mul3A_1 : i32
    "tpu.region"() ({
      %run_scoped3A = tpu.sem_alloc : memref<!tpu.dma_semaphore, #tpu.memory_space<semaphore_mem>>
      %dma_start3A_226 = tpu.memref_slice %arg3[%mul3A_2] : memref<819200xi32, #tpu.memory_space<hbm>> -> memref<25600xi32, #tpu.memory_space<hbm>>
      %dma_start3A_227 = tpu.memref_slice %arg3[%mul3A_2] : memref<819200xi32, #tpu.memory_space<hbm>> -> memref<25600xi32, #tpu.memory_space<hbm>>
      tpu.enqueue_dma source(%dma_start3A_227 : memref<25600xi32, #tpu.memory_space<hbm>>) target(%arg5 : memref<25600xi32, #tpu.memory_space<vmem>>) target_semaphore(%run_scoped3A : memref<!tpu.dma_semaphore, #tpu.memory_space<semaphore_mem>>)
      %dma_wait3A_228 = tpu.memref_slice %arg3[%mul3A_2] : memref<819200xi32, #tpu.memory_space<hbm>> -> memref<25600xi32, #tpu.memory_space<hbm>>
      %dma_wait3A_229 = tpu.memref_slice %arg3[%mul3A_2] : memref<819200xi32, #tpu.memory_space<hbm>> -> memref<25600xi32, #tpu.memory_space<hbm>>
      tpu.wait_dma2 semaphore(%run_scoped3A : memref<!tpu.dma_semaphore, #tpu.memory_space<semaphore_mem>>) src(%dma_wait3A_229 : memref<25600xi32, #tpu.memory_space<hbm>>) dst(%arg5 : memref<25600xi32, #tpu.memory_space<vmem>>)
      tpu.yield
    }) : () -> ()
    %dma_start3A = arith.constant 0 : i32
    %dma_start3A_3 = arith.constant 0 : i32
    %dma_start3A_4 = arith.constant 0 : i32
    %dma_start3A_5 = tpu.memref_slice %arg6[%dma_start3A, %dma_start3A_3, %dma_start3A_4] : memref<2x512x64xf32, #tpu.memory_space<vmem>> -> memref<1x128x64xf32, #tpu.memory_space<vmem>>
    %dma_start3A_6 = tpu.memref_squeeze %dma_start3A_5 : memref<1x128x64xf32, #tpu.memory_space<vmem>> -> memref<128x64xf32, #tpu.memory_space<vmem>>
    %dma_start3A_7 = arith.constant 0 : i32
    %dma_start3A_8 = tpu.memref_slice %arg5[%dma_start3A_7] : memref<25600xi32, #tpu.memory_space<vmem>> -> memref<128xi32, #tpu.memory_space<vmem>>
    %dma_start3A_9 = arith.constant 0 : i32
    %dma_start3A_10 = arith.constant 0 : i32
    %dma_start3A_11 = tpu.memref_slice %arg2[%dma_start3A_9, %dma_start3A_10] : memref<1000000x64xf32, #tpu.memory_space<hbm>> -> memref<1000000x64xf32, #tpu.memory_space<hbm>>
    tpu.enqueue_indirect_dma source(%dma_start3A_11 : memref<1000000x64xf32, #tpu.memory_space<hbm>>) target(%dma_start3A_6 : memref<128x64xf32, #tpu.memory_space<vmem>>) offsets(%dma_start3A_8 : memref<128xi32, #tpu.memory_space<vmem>>) semaphore(%arg7 : memref<!tpu.dma_semaphore, #tpu.memory_space<semaphore_mem>>)
    %dma_start3A_12 = arith.constant 0 : i32
    %dma_start3A_13 = arith.constant 128 : i32
    %dma_start3A_14 = arith.constant 0 : i32
    %dma_start3A_15 = tpu.memref_slice %arg6[%dma_start3A_12, %dma_start3A_13, %dma_start3A_14] : memref<2x512x64xf32, #tpu.memory_space<vmem>> -> memref<1x128x64xf32, #tpu.memory_space<vmem>>
    %dma_start3A_16 = tpu.memref_squeeze %dma_start3A_15 : memref<1x128x64xf32, #tpu.memory_space<vmem>> -> memref<128x64xf32, #tpu.memory_space<vmem>>
    %dma_start3A_17 = arith.constant 128 : i32
    %dma_start3A_18 = tpu.memref_slice %arg5[%dma_start3A_17] : memref<25600xi32, #tpu.memory_space<vmem>> -> memref<128xi32, #tpu.memory_space<vmem>>
    %dma_start3A_19 = arith.constant 0 : i32
    %dma_start3A_20 = arith.constant 0 : i32
    %dma_start3A_21 = tpu.memref_slice %arg2[%dma_start3A_19, %dma_start3A_20] : memref<1000000x64xf32, #tpu.memory_space<hbm>> -> memref<1000000x64xf32, #tpu.memory_space<hbm>>
    tpu.enqueue_indirect_dma source(%dma_start3A_21 : memref<1000000x64xf32, #tpu.memory_space<hbm>>) target(%dma_start3A_16 : memref<128x64xf32, #tpu.memory_space<vmem>>) offsets(%dma_start3A_18 : memref<128xi32, #tpu.memory_space<vmem>>) semaphore(%arg7 : memref<!tpu.dma_semaphore, #tpu.memory_space<semaphore_mem>>)
    %dma_start3A_22 = arith.constant 0 : i32
    %dma_start3A_23 = arith.constant 256 : i32
    %dma_start3A_24 = arith.constant 0 : i32
    %dma_start3A_25 = tpu.memref_slice %arg6[%dma_start3A_22, %dma_start3A_23, %dma_start3A_24] : memref<2x512x64xf32, #tpu.memory_space<vmem>> -> memref<1x128x64xf32, #tpu.memory_space<vmem>>
    %dma_start3A_26 = tpu.memref_squeeze %dma_start3A_25 : memref<1x128x64xf32, #tpu.memory_space<vmem>> -> memref<128x64xf32, #tpu.memory_space<vmem>>
    %dma_start3A_27 = arith.constant 256 : i32
    %dma_start3A_28 = tpu.memref_slice %arg5[%dma_start3A_27] : memref<25600xi32, #tpu.memory_space<vmem>> -> memref<128xi32, #tpu.memory_space<vmem>>
    %dma_start3A_29 = arith.constant 0 : i32
    %dma_start3A_30 = arith.constant 0 : i32
    %dma_start3A_31 = tpu.memref_slice %arg2[%dma_start3A_29, %dma_start3A_30] : memref<1000000x64xf32, #tpu.memory_space<hbm>> -> memref<1000000x64xf32, #tpu.memory_space<hbm>>
    tpu.enqueue_indirect_dma source(%dma_start3A_31 : memref<1000000x64xf32, #tpu.memory_space<hbm>>) target(%dma_start3A_26 : memref<128x64xf32, #tpu.memory_space<vmem>>) offsets(%dma_start3A_28 : memref<128xi32, #tpu.memory_space<vmem>>) semaphore(%arg7 : memref<!tpu.dma_semaphore, #tpu.memory_space<semaphore_mem>>)
    %dma_start3A_32 = arith.constant 0 : i32
    %dma_start3A_33 = arith.constant 384 : i32
    %dma_start3A_34 = arith.constant 0 : i32
    %dma_start3A_35 = tpu.memref_slice %arg6[%dma_start3A_32, %dma_start3A_33, %dma_start3A_34] : memref<2x512x64xf32, #tpu.memory_space<vmem>> -> memref<1x128x64xf32, #tpu.memory_space<vmem>>
    %dma_start3A_36 = tpu.memref_squeeze %dma_start3A_35 : memref<1x128x64xf32, #tpu.memory_space<vmem>> -> memref<128x64xf32, #tpu.memory_space<vmem>>
    %dma_start3A_37 = arith.constant 384 : i32
    %dma_start3A_38 = tpu.memref_slice %arg5[%dma_start3A_37] : memref<25600xi32, #tpu.memory_space<vmem>> -> memref<128xi32, #tpu.memory_space<vmem>>
    %dma_start3A_39 = arith.constant 0 : i32
    %dma_start3A_40 = arith.constant 0 : i32
    %dma_start3A_41 = tpu.memref_slice %arg2[%dma_start3A_39, %dma_start3A_40] : memref<1000000x64xf32, #tpu.memory_space<hbm>> -> memref<1000000x64xf32, #tpu.memory_space<hbm>>
    tpu.enqueue_indirect_dma source(%dma_start3A_41 : memref<1000000x64xf32, #tpu.memory_space<hbm>>) target(%dma_start3A_36 : memref<128x64xf32, #tpu.memory_space<vmem>>) offsets(%dma_start3A_38 : memref<128xi32, #tpu.memory_space<vmem>>) semaphore(%arg7 : memref<!tpu.dma_semaphore, #tpu.memory_space<semaphore_mem>>)
    %dma_start3A_42 = arith.constant 1 : i32
    %dma_start3A_43 = arith.constant 0 : i32
    %dma_start3A_44 = arith.constant 0 : i32
    %dma_start3A_45 = tpu.memref_slice %arg6[%dma_start3A_42, %dma_start3A_43, %dma_start3A_44] : memref<2x512x64xf32, #tpu.memory_space<vmem>> -> memref<1x128x64xf32, #tpu.memory_space<vmem>>
    %dma_start3A_46 = tpu.memref_squeeze %dma_start3A_45 : memref<1x128x64xf32, #tpu.memory_space<vmem>> -> memref<128x64xf32, #tpu.memory_space<vmem>>
    %dma_start3A_47 = arith.constant 512 : i32
    %dma_start3A_48 = tpu.memref_slice %arg5[%dma_start3A_47] : memref<25600xi32, #tpu.memory_space<vmem>> -> memref<128xi32, #tpu.memory_space<vmem>>
    %dma_start3A_49 = arith.constant 0 : i32
    %dma_start3A_50 = arith.constant 0 : i32
    %dma_start3A_51 = tpu.memref_slice %arg2[%dma_start3A_49, %dma_start3A_50] : memref<1000000x64xf32, #tpu.memory_space<hbm>> -> memref<1000000x64xf32, #tpu.memory_space<hbm>>
    tpu.enqueue_indirect_dma source(%dma_start3A_51 : memref<1000000x64xf32, #tpu.memory_space<hbm>>) target(%dma_start3A_46 : memref<128x64xf32, #tpu.memory_space<vmem>>) offsets(%dma_start3A_48 : memref<128xi32, #tpu.memory_space<vmem>>) semaphore(%arg8 : memref<!tpu.dma_semaphore, #tpu.memory_space<semaphore_mem>>)
    %dma_start3A_52 = arith.constant 1 : i32
    %dma_start3A_53 = arith.constant 128 : i32
    %dma_start3A_54 = arith.constant 0 : i32
    %dma_start3A_55 = tpu.memref_slice %arg6[%dma_start3A_52, %dma_start3A_53, %dma_start3A_54] : memref<2x512x64xf32, #tpu.memory_space<vmem>> -> memref<1x128x64xf32, #tpu.memory_space<vmem>>
    %dma_start3A_56 = tpu.memref_squeeze %dma_start3A_55 : memref<1x128x64xf32, #tpu.memory_space<vmem>> -> memref<128x64xf32, #tpu.memory_space<vmem>>
    %dma_start3A_57 = arith.constant 640 : i32
    %dma_start3A_58 = tpu.memref_slice %arg5[%dma_start3A_57] : memref<25600xi32, #tpu.memory_space<vmem>> -> memref<128xi32, #tpu.memory_space<vmem>>
    %dma_start3A_59 = arith.constant 0 : i32
    %dma_start3A_60 = arith.constant 0 : i32
    %dma_start3A_61 = tpu.memref_slice %arg2[%dma_start3A_59, %dma_start3A_60] : memref<1000000x64xf32, #tpu.memory_space<hbm>> -> memref<1000000x64xf32, #tpu.memory_space<hbm>>
    tpu.enqueue_indirect_dma source(%dma_start3A_61 : memref<1000000x64xf32, #tpu.memory_space<hbm>>) target(%dma_start3A_56 : memref<128x64xf32, #tpu.memory_space<vmem>>) offsets(%dma_start3A_58 : memref<128xi32, #tpu.memory_space<vmem>>) semaphore(%arg8 : memref<!tpu.dma_semaphore, #tpu.memory_space<semaphore_mem>>)
    %dma_start3A_62 = arith.constant 1 : i32
    %dma_start3A_63 = arith.constant 256 : i32
    %dma_start3A_64 = arith.constant 0 : i32
    %dma_start3A_65 = tpu.memref_slice %arg6[%dma_start3A_62, %dma_start3A_63, %dma_start3A_64] : memref<2x512x64xf32, #tpu.memory_space<vmem>> -> memref<1x128x64xf32, #tpu.memory_space<vmem>>
    %dma_start3A_66 = tpu.memref_squeeze %dma_start3A_65 : memref<1x128x64xf32, #tpu.memory_space<vmem>> -> memref<128x64xf32, #tpu.memory_space<vmem>>
    %dma_start3A_67 = arith.constant 768 : i32
    %dma_start3A_68 = tpu.memref_slice %arg5[%dma_start3A_67] : memref<25600xi32, #tpu.memory_space<vmem>> -> memref<128xi32, #tpu.memory_space<vmem>>
    %dma_start3A_69 = arith.constant 0 : i32
    %dma_start3A_70 = arith.constant 0 : i32
    %dma_start3A_71 = tpu.memref_slice %arg2[%dma_start3A_69, %dma_start3A_70] : memref<1000000x64xf32, #tpu.memory_space<hbm>> -> memref<1000000x64xf32, #tpu.memory_space<hbm>>
    tpu.enqueue_indirect_dma source(%dma_start3A_71 : memref<1000000x64xf32, #tpu.memory_space<hbm>>) target(%dma_start3A_66 : memref<128x64xf32, #tpu.memory_space<vmem>>) offsets(%dma_start3A_68 : memref<128xi32, #tpu.memory_space<vmem>>) semaphore(%arg8 : memref<!tpu.dma_semaphore, #tpu.memory_space<semaphore_mem>>)
    %dma_start3A_72 = arith.constant 1 : i32
    %dma_start3A_73 = arith.constant 384 : i32
    %dma_start3A_74 = arith.constant 0 : i32
    %dma_start3A_75 = tpu.memref_slice %arg6[%dma_start3A_72, %dma_start3A_73, %dma_start3A_74] : memref<2x512x64xf32, #tpu.memory_space<vmem>> -> memref<1x128x64xf32, #tpu.memory_space<vmem>>
    %dma_start3A_76 = tpu.memref_squeeze %dma_start3A_75 : memref<1x128x64xf32, #tpu.memory_space<vmem>> -> memref<128x64xf32, #tpu.memory_space<vmem>>
    %dma_start3A_77 = arith.constant 896 : i32
    %dma_start3A_78 = tpu.memref_slice %arg5[%dma_start3A_77] : memref<25600xi32, #tpu.memory_space<vmem>> -> memref<128xi32, #tpu.memory_space<vmem>>
    %dma_start3A_79 = arith.constant 0 : i32
    %dma_start3A_80 = arith.constant 0 : i32
    %dma_start3A_81 = tpu.memref_slice %arg2[%dma_start3A_79, %dma_start3A_80] : memref<1000000x64xf32, #tpu.memory_space<hbm>> -> memref<1000000x64xf32, #tpu.memory_space<hbm>>
    tpu.enqueue_indirect_dma source(%dma_start3A_81 : memref<1000000x64xf32, #tpu.memory_space<hbm>>) target(%dma_start3A_76 : memref<128x64xf32, #tpu.memory_space<vmem>>) offsets(%dma_start3A_78 : memref<128xi32, #tpu.memory_space<vmem>>) semaphore(%arg8 : memref<!tpu.dma_semaphore, #tpu.memory_space<semaphore_mem>>)
    %scan3A = arith.constant 0 : i32
    %scan3A_82 = arith.constant 0 : i32
    %scan3A_83 = arith.constant 24 : i32
    %scan3A_84 = arith.addi %scan3A_82, %scan3A_83 : i32
    %scan3A_85 = arith.constant 1 : i32
    scf.for %scan3A_226 = %scan3A_82 to %scan3A_84 step %scan3A_85  : i32 {
      %mul3A_227 = arith.constant 2 : i32
      %mul3A_228 = arith.muli %scan3A_226, %mul3A_227 : i32
      %add3A_229 = arith.constant 0 : i32
      %add3A_230 = arith.addi %mul3A_228, %add3A_229 : i32
      %mul3A_231 = arith.constant 512 : i32
      %mul3A_232 = arith.muli %add3A_230, %mul3A_231 : i32
      %add3A_233 = arith.constant 0 : i32
      %add3A_234 = arith.addi %mul3A_232, %add3A_233 : i32
      %dma_wait3A_235 = arith.constant 0 : i32
      %dma_wait3A_236 = arith.constant 0 : i32
      %dma_wait3A_237 = arith.constant 0 : i32
      %dma_wait3A_238 = tpu.memref_slice %arg6[%dma_wait3A_235, %dma_wait3A_236, %dma_wait3A_237] : memref<2x512x64xf32, #tpu.memory_space<vmem>> -> memref<1x128x64xf32, #tpu.memory_space<vmem>>
      %dma_wait3A_239 = tpu.memref_squeeze %dma_wait3A_238 : memref<1x128x64xf32, #tpu.memory_space<vmem>> -> memref<128x64xf32, #tpu.memory_space<vmem>>
      %dma_wait3A_240 = tpu.memref_slice %arg5[%add3A_234] : memref<25600xi32, #tpu.memory_space<vmem>> -> memref<128xi32, #tpu.memory_space<vmem>>
      %dma_wait3A_241 = arith.constant 0 : i32
      %dma_wait3A_242 = arith.constant 0 : i32
      %dma_wait3A_243 = tpu.memref_slice %arg2[%dma_wait3A_241, %dma_wait3A_242] : memref<1000000x64xf32, #tpu.memory_space<hbm>> -> memref<1000000x64xf32, #tpu.memory_space<hbm>>
      tpu.wait_indirect_dma semaphore(%arg7 : memref<!tpu.dma_semaphore, #tpu.memory_space<semaphore_mem>>) src(%dma_wait3A_243 : memref<1000000x64xf32, #tpu.memory_space<hbm>>) dst(%dma_wait3A_239 : memref<128x64xf32, #tpu.memory_space<vmem>>)
      %mul3A_244 = arith.constant 512 : i32
      %mul3A_245 = arith.muli %add3A_230, %mul3A_244 : i32
      %add3A_246 = arith.constant 128 : i32
      %add3A_247 = arith.addi %mul3A_245, %add3A_246 : i32
      %dma_wait3A_248 = arith.constant 0 : i32
      %dma_wait3A_249 = arith.constant 128 : i32
      %dma_wait3A_250 = arith.constant 0 : i32
      %dma_wait3A_251 = tpu.memref_slice %arg6[%dma_wait3A_248, %dma_wait3A_249, %dma_wait3A_250] : memref<2x512x64xf32, #tpu.memory_space<vmem>> -> memref<1x128x64xf32, #tpu.memory_space<vmem>>
      %dma_wait3A_252 = tpu.memref_squeeze %dma_wait3A_251 : memref<1x128x64xf32, #tpu.memory_space<vmem>> -> memref<128x64xf32, #tpu.memory_space<vmem>>
      %dma_wait3A_253 = tpu.memref_slice %arg5[%add3A_247] : memref<25600xi32, #tpu.memory_space<vmem>> -> memref<128xi32, #tpu.memory_space<vmem>>
      %dma_wait3A_254 = arith.constant 0 : i32
      %dma_wait3A_255 = arith.constant 0 : i32
      %dma_wait3A_256 = tpu.memref_slice %arg2[%dma_wait3A_254, %dma_wait3A_255] : memref<1000000x64xf32, #tpu.memory_space<hbm>> -> memref<1000000x64xf32, #tpu.memory_space<hbm>>
      tpu.wait_indirect_dma semaphore(%arg7 : memref<!tpu.dma_semaphore, #tpu.memory_space<semaphore_mem>>) src(%dma_wait3A_256 : memref<1000000x64xf32, #tpu.memory_space<hbm>>) dst(%dma_wait3A_252 : memref<128x64xf32, #tpu.memory_space<vmem>>)
      %mul3A_257 = arith.constant 512 : i32
      %mul3A_258 = arith.muli %add3A_230, %mul3A_257 : i32
      %add3A_259 = arith.constant 256 : i32
      %add3A_260 = arith.addi %mul3A_258, %add3A_259 : i32
      %dma_wait3A_261 = arith.constant 0 : i32
      %dma_wait3A_262 = arith.constant 256 : i32
      %dma_wait3A_263 = arith.constant 0 : i32
      %dma_wait3A_264 = tpu.memref_slice %arg6[%dma_wait3A_261, %dma_wait3A_262, %dma_wait3A_263] : memref<2x512x64xf32, #tpu.memory_space<vmem>> -> memref<1x128x64xf32, #tpu.memory_space<vmem>>
      %dma_wait3A_265 = tpu.memref_squeeze %dma_wait3A_264 : memref<1x128x64xf32, #tpu.memory_space<vmem>> -> memref<128x64xf32, #tpu.memory_space<vmem>>
      %dma_wait3A_266 = tpu.memref_slice %arg5[%add3A_260] : memref<25600xi32, #tpu.memory_space<vmem>> -> memref<128xi32, #tpu.memory_space<vmem>>
      %dma_wait3A_267 = arith.constant 0 : i32
      %dma_wait3A_268 = arith.constant 0 : i32
      %dma_wait3A_269 = tpu.memref_slice %arg2[%dma_wait3A_267, %dma_wait3A_268] : memref<1000000x64xf32, #tpu.memory_space<hbm>> -> memref<1000000x64xf32, #tpu.memory_space<hbm>>
      tpu.wait_indirect_dma semaphore(%arg7 : memref<!tpu.dma_semaphore, #tpu.memory_space<semaphore_mem>>) src(%dma_wait3A_269 : memref<1000000x64xf32, #tpu.memory_space<hbm>>) dst(%dma_wait3A_265 : memref<128x64xf32, #tpu.memory_space<vmem>>)
      %mul3A_270 = arith.constant 512 : i32
      %mul3A_271 = arith.muli %add3A_230, %mul3A_270 : i32
      %add3A_272 = arith.constant 384 : i32
      %add3A_273 = arith.addi %mul3A_271, %add3A_272 : i32
      %dma_wait3A_274 = arith.constant 0 : i32
      %dma_wait3A_275 = arith.constant 384 : i32
      %dma_wait3A_276 = arith.constant 0 : i32
      %dma_wait3A_277 = tpu.memref_slice %arg6[%dma_wait3A_274, %dma_wait3A_275, %dma_wait3A_276] : memref<2x512x64xf32, #tpu.memory_space<vmem>> -> memref<1x128x64xf32, #tpu.memory_space<vmem>>
      %dma_wait3A_278 = tpu.memref_squeeze %dma_wait3A_277 : memref<1x128x64xf32, #tpu.memory_space<vmem>> -> memref<128x64xf32, #tpu.memory_space<vmem>>
      %dma_wait3A_279 = tpu.memref_slice %arg5[%add3A_273] : memref<25600xi32, #tpu.memory_space<vmem>> -> memref<128xi32, #tpu.memory_space<vmem>>
      %dma_wait3A_280 = arith.constant 0 : i32
      %dma_wait3A_281 = arith.constant 0 : i32
      %dma_wait3A_282 = tpu.memref_slice %arg2[%dma_wait3A_280, %dma_wait3A_281] : memref<1000000x64xf32, #tpu.memory_space<hbm>> -> memref<1000000x64xf32, #tpu.memory_space<hbm>>
      tpu.wait_indirect_dma semaphore(%arg7 : memref<!tpu.dma_semaphore, #tpu.memory_space<semaphore_mem>>) src(%dma_wait3A_282 : memref<1000000x64xf32, #tpu.memory_space<hbm>>) dst(%dma_wait3A_278 : memref<128x64xf32, #tpu.memory_space<vmem>>)
      %mul3A_283 = arith.constant 512 : i32
      %mul3A_284 = arith.muli %add3A_230, %mul3A_283 : i32
      %add3A_285 = arith.addi %mul3A_2, %mul3A_284 : i32
      %dma_start3A_286 = arith.constant 0 : i32
      %dma_start3A_287 = arith.constant 0 : i32
      %dma_start3A_288 = arith.constant 0 : i32
      %dma_start3A_289 = tpu.memref_slice %arg6[%dma_start3A_286, %dma_start3A_287, %dma_start3A_288] : memref<2x512x64xf32, #tpu.memory_space<vmem>> -> memref<1x512x64xf32, #tpu.memory_space<vmem>>
      %dma_start3A_290 = tpu.memref_squeeze %dma_start3A_289 : memref<1x512x64xf32, #tpu.memory_space<vmem>> -> memref<512x64xf32, #tpu.memory_space<vmem>>
      %dma_start3A_291 = arith.constant 0 : i32
      %dma_start3A_292 = tpu.memref_slice %arg4[%add3A_285, %dma_start3A_291] : memref<819200x64xf32, #tpu.memory_space<hbm>> -> memref<512x64xf32, #tpu.memory_space<hbm>>
      %dma_start3A_293 = arith.constant 0 : i32
      %dma_start3A_294 = tpu.memref_slice %arg4[%add3A_285, %dma_start3A_293] : memref<819200x64xf32, #tpu.memory_space<hbm>> -> memref<512x64xf32, #tpu.memory_space<hbm>>
      %dma_start3A_295 = arith.constant 0 : i32
      %dma_start3A_296 = arith.constant 0 : i32
      %dma_start3A_297 = tpu.memref_slice %arg6[%dma_start3A_286, %dma_start3A_295, %dma_start3A_296] : memref<2x512x64xf32, #tpu.memory_space<vmem>> -> memref<1x512x64xf32, #tpu.memory_space<vmem>>
      %dma_start3A_298 = tpu.memref_squeeze %dma_start3A_297 : memref<1x512x64xf32, #tpu.memory_space<vmem>> -> memref<512x64xf32, #tpu.memory_space<vmem>>
      tpu.enqueue_dma source(%dma_start3A_298 : memref<512x64xf32, #tpu.memory_space<vmem>>) target(%dma_start3A_294 : memref<512x64xf32, #tpu.memory_space<hbm>>) target_semaphore(%arg9 : memref<!tpu.dma_semaphore, #tpu.memory_space<semaphore_mem>>)
      %mul3A_299 = arith.constant 512 : i32
      %mul3A_300 = arith.muli %add3A_230, %mul3A_299 : i32
      %add3A_301 = arith.addi %mul3A_2, %mul3A_300 : i32
      %dma_wait3A_302 = arith.constant 0 : i32
      %dma_wait3A_303 = arith.constant 0 : i32
      %dma_wait3A_304 = arith.constant 0 : i32
      %dma_wait3A_305 = tpu.memref_slice %arg6[%dma_wait3A_302, %dma_wait3A_303, %dma_wait3A_304] : memref<2x512x64xf32, #tpu.memory_space<vmem>> -> memref<1x512x64xf32, #tpu.memory_space<vmem>>
      %dma_wait3A_306 = tpu.memref_squeeze %dma_wait3A_305 : memref<1x512x64xf32, #tpu.memory_space<vmem>> -> memref<512x64xf32, #tpu.memory_space<vmem>>
      %dma_wait3A_307 = arith.constant 0 : i32
      %dma_wait3A_308 = tpu.memref_slice %arg4[%add3A_301, %dma_wait3A_307] : memref<819200x64xf32, #tpu.memory_space<hbm>> -> memref<512x64xf32, #tpu.memory_space<hbm>>
      %dma_wait3A_309 = arith.constant 0 : i32
      %dma_wait3A_310 = tpu.memref_slice %arg4[%add3A_301, %dma_wait3A_309] : memref<819200x64xf32, #tpu.memory_space<hbm>> -> memref<512x64xf32, #tpu.memory_space<hbm>>
      %dma_wait3A_311 = arith.constant 0 : i32
      %dma_wait3A_312 = arith.constant 0 : i32
      %dma_wait3A_313 = tpu.memref_slice %arg6[%dma_wait3A_302, %dma_wait3A_311, %dma_wait3A_312] : memref<2x512x64xf32, #tpu.memory_space<vmem>> -> memref<1x512x64xf32, #tpu.memory_space<vmem>>
      %dma_wait3A_314 = tpu.memref_squeeze %dma_wait3A_313 : memref<1x512x64xf32, #tpu.memory_space<vmem>> -> memref<512x64xf32, #tpu.memory_space<vmem>>
      tpu.wait_dma2 semaphore(%arg9 : memref<!tpu.dma_semaphore, #tpu.memory_space<semaphore_mem>>) src(%dma_wait3A_314 : memref<512x64xf32, #tpu.memory_space<vmem>>) dst(%dma_wait3A_310 : memref<512x64xf32, #tpu.memory_space<hbm>>)
      %add3A_315 = arith.constant 2 : i32
      %add3A_316 = arith.addi %add3A_230, %add3A_315 : i32
      %mul3A_317 = arith.constant 512 : i32
      %mul3A_318 = arith.muli %add3A_316, %mul3A_317 : i32
      %add3A_319 = arith.constant 0 : i32
      %add3A_320 = arith.addi %mul3A_318, %add3A_319 : i32
      %dma_start3A_321 = arith.constant 0 : i32
      %dma_start3A_322 = arith.constant 0 : i32
      %dma_start3A_323 = arith.constant 0 : i32
      %dma_start3A_324 = tpu.memref_slice %arg6[%dma_start3A_321, %dma_start3A_322, %dma_start3A_323] : memref<2x512x64xf32, #tpu.memory_space<vmem>> -> memref<1x128x64xf32, #tpu.memory_space<vmem>>
      %dma_start3A_325 = tpu.memref_squeeze %dma_start3A_324 : memref<1x128x64xf32, #tpu.memory_space<vmem>> -> memref<128x64xf32, #tpu.memory_space<vmem>>
      %dma_start3A_326 = tpu.memref_slice %arg5[%add3A_320] : memref<25600xi32, #tpu.memory_space<vmem>> -> memref<128xi32, #tpu.memory_space<vmem>>
      %dma_start3A_327 = arith.constant 0 : i32
      %dma_start3A_328 = arith.constant 0 : i32
      %dma_start3A_329 = tpu.memref_slice %arg2[%dma_start3A_327, %dma_start3A_328] : memref<1000000x64xf32, #tpu.memory_space<hbm>> -> memref<1000000x64xf32, #tpu.memory_space<hbm>>
      tpu.enqueue_indirect_dma source(%dma_start3A_329 : memref<1000000x64xf32, #tpu.memory_space<hbm>>) target(%dma_start3A_325 : memref<128x64xf32, #tpu.memory_space<vmem>>) offsets(%dma_start3A_326 : memref<128xi32, #tpu.memory_space<vmem>>) semaphore(%arg7 : memref<!tpu.dma_semaphore, #tpu.memory_space<semaphore_mem>>)
      %mul3A_330 = arith.constant 512 : i32
      %mul3A_331 = arith.muli %add3A_316, %mul3A_330 : i32
      %add3A_332 = arith.constant 128 : i32
      %add3A_333 = arith.addi %mul3A_331, %add3A_332 : i32
      %dma_start3A_334 = arith.constant 0 : i32
      %dma_start3A_335 = arith.constant 128 : i32
      %dma_start3A_336 = arith.constant 0 : i32
      %dma_start3A_337 = tpu.memref_slice %arg6[%dma_start3A_334, %dma_start3A_335, %dma_start3A_336] : memref<2x512x64xf32, #tpu.memory_space<vmem>> -> memref<1x128x64xf32, #tpu.memory_space<vmem>>
      %dma_start3A_338 = tpu.memref_squeeze %dma_start3A_337 : memref<1x128x64xf32, #tpu.memory_space<vmem>> -> memref<128x64xf32, #tpu.memory_space<vmem>>
      %dma_start3A_339 = tpu.memref_slice %arg5[%add3A_333] : memref<25600xi32, #tpu.memory_space<vmem>> -> memref<128xi32, #tpu.memory_space<vmem>>
      %dma_start3A_340 = arith.constant 0 : i32
      %dma_start3A_341 = arith.constant 0 : i32
      %dma_start3A_342 = tpu.memref_slice %arg2[%dma_start3A_340, %dma_start3A_341] : memref<1000000x64xf32, #tpu.memory_space<hbm>> -> memref<1000000x64xf32, #tpu.memory_space<hbm>>
      tpu.enqueue_indirect_dma source(%dma_start3A_342 : memref<1000000x64xf32, #tpu.memory_space<hbm>>) target(%dma_start3A_338 : memref<128x64xf32, #tpu.memory_space<vmem>>) offsets(%dma_start3A_339 : memref<128xi32, #tpu.memory_space<vmem>>) semaphore(%arg7 : memref<!tpu.dma_semaphore, #tpu.memory_space<semaphore_mem>>)
      %mul3A_343 = arith.constant 512 : i32
      %mul3A_344 = arith.muli %add3A_316, %mul3A_343 : i32
      %add3A_345 = arith.constant 256 : i32
      %add3A_346 = arith.addi %mul3A_344, %add3A_345 : i32
      %dma_start3A_347 = arith.constant 0 : i32
      %dma_start3A_348 = arith.constant 256 : i32
      %dma_start3A_349 = arith.constant 0 : i32
      %dma_start3A_350 = tpu.memref_slice %arg6[%dma_start3A_347, %dma_start3A_348, %dma_start3A_349] : memref<2x512x64xf32, #tpu.memory_space<vmem>> -> memref<1x128x64xf32, #tpu.memory_space<vmem>>
      %dma_start3A_351 = tpu.memref_squeeze %dma_start3A_350 : memref<1x128x64xf32, #tpu.memory_space<vmem>> -> memref<128x64xf32, #tpu.memory_space<vmem>>
      %dma_start3A_352 = tpu.memref_slice %arg5[%add3A_346] : memref<25600xi32, #tpu.memory_space<vmem>> -> memref<128xi32, #tpu.memory_space<vmem>>
      %dma_start3A_353 = arith.constant 0 : i32
      %dma_start3A_354 = arith.constant 0 : i32
      %dma_start3A_355 = tpu.memref_slice %arg2[%dma_start3A_353, %dma_start3A_354] : memref<1000000x64xf32, #tpu.memory_space<hbm>> -> memref<1000000x64xf32, #tpu.memory_space<hbm>>
      tpu.enqueue_indirect_dma source(%dma_start3A_355 : memref<1000000x64xf32, #tpu.memory_space<hbm>>) target(%dma_start3A_351 : memref<128x64xf32, #tpu.memory_space<vmem>>) offsets(%dma_start3A_352 : memref<128xi32, #tpu.memory_space<vmem>>) semaphore(%arg7 : memref<!tpu.dma_semaphore, #tpu.memory_space<semaphore_mem>>)
      %mul3A_356 = arith.constant 512 : i32
      %mul3A_357 = arith.muli %add3A_316, %mul3A_356 : i32
      %add3A_358 = arith.constant 384 : i32
      %add3A_359 = arith.addi %mul3A_357, %add3A_358 : i32
      %dma_start3A_360 = arith.constant 0 : i32
      %dma_start3A_361 = arith.constant 384 : i32
      %dma_start3A_362 = arith.constant 0 : i32
      %dma_start3A_363 = tpu.memref_slice %arg6[%dma_start3A_360, %dma_start3A_361, %dma_start3A_362] : memref<2x512x64xf32, #tpu.memory_space<vmem>> -> memref<1x128x64xf32, #tpu.memory_space<vmem>>
      %dma_start3A_364 = tpu.memref_squeeze %dma_start3A_363 : memref<1x128x64xf32, #tpu.memory_space<vmem>> -> memref<128x64xf32, #tpu.memory_space<vmem>>
      %dma_start3A_365 = tpu.memref_slice %arg5[%add3A_359] : memref<25600xi32, #tpu.memory_space<vmem>> -> memref<128xi32, #tpu.memory_space<vmem>>
      %dma_start3A_366 = arith.constant 0 : i32
      %dma_start3A_367 = arith.constant 0 : i32
      %dma_start3A_368 = tpu.memref_slice %arg2[%dma_start3A_366, %dma_start3A_367] : memref<1000000x64xf32, #tpu.memory_space<hbm>> -> memref<1000000x64xf32, #tpu.memory_space<hbm>>
      tpu.enqueue_indirect_dma source(%dma_start3A_368 : memref<1000000x64xf32, #tpu.memory_space<hbm>>) target(%dma_start3A_364 : memref<128x64xf32, #tpu.memory_space<vmem>>) offsets(%dma_start3A_365 : memref<128xi32, #tpu.memory_space<vmem>>) semaphore(%arg7 : memref<!tpu.dma_semaphore, #tpu.memory_space<semaphore_mem>>)
      %mul3A_369 = arith.constant 2 : i32
      %mul3A_370 = arith.muli %scan3A_226, %mul3A_369 : i32
      %add3A_371 = arith.constant 1 : i32
      %add3A_372 = arith.addi %mul3A_370, %add3A_371 : i32
      %mul3A_373 = arith.constant 512 : i32
      %mul3A_374 = arith.muli %add3A_372, %mul3A_373 : i32
      %add3A_375 = arith.constant 0 : i32
      %add3A_376 = arith.addi %mul3A_374, %add3A_375 : i32
      %dma_wait3A_377 = arith.constant 1 : i32
      %dma_wait3A_378 = arith.constant 0 : i32
      %dma_wait3A_379 = arith.constant 0 : i32
      %dma_wait3A_380 = tpu.memref_slice %arg6[%dma_wait3A_377, %dma_wait3A_378, %dma_wait3A_379] : memref<2x512x64xf32, #tpu.memory_space<vmem>> -> memref<1x128x64xf32, #tpu.memory_space<vmem>>
      %dma_wait3A_381 = tpu.memref_squeeze %dma_wait3A_380 : memref<1x128x64xf32, #tpu.memory_space<vmem>> -> memref<128x64xf32, #tpu.memory_space<vmem>>
      %dma_wait3A_382 = tpu.memref_slice %arg5[%add3A_376] : memref<25600xi32, #tpu.memory_space<vmem>> -> memref<128xi32, #tpu.memory_space<vmem>>
      %dma_wait3A_383 = arith.constant 0 : i32
      %dma_wait3A_384 = arith.constant 0 : i32
      %dma_wait3A_385 = tpu.memref_slice %arg2[%dma_wait3A_383, %dma_wait3A_384] : memref<1000000x64xf32, #tpu.memory_space<hbm>> -> memref<1000000x64xf32, #tpu.memory_space<hbm>>
      tpu.wait_indirect_dma semaphore(%arg8 : memref<!tpu.dma_semaphore, #tpu.memory_space<semaphore_mem>>) src(%dma_wait3A_385 : memref<1000000x64xf32, #tpu.memory_space<hbm>>) dst(%dma_wait3A_381 : memref<128x64xf32, #tpu.memory_space<vmem>>)
      %mul3A_386 = arith.constant 512 : i32
      %mul3A_387 = arith.muli %add3A_372, %mul3A_386 : i32
      %add3A_388 = arith.constant 128 : i32
      %add3A_389 = arith.addi %mul3A_387, %add3A_388 : i32
      %dma_wait3A_390 = arith.constant 1 : i32
      %dma_wait3A_391 = arith.constant 128 : i32
      %dma_wait3A_392 = arith.constant 0 : i32
      %dma_wait3A_393 = tpu.memref_slice %arg6[%dma_wait3A_390, %dma_wait3A_391, %dma_wait3A_392] : memref<2x512x64xf32, #tpu.memory_space<vmem>> -> memref<1x128x64xf32, #tpu.memory_space<vmem>>
      %dma_wait3A_394 = tpu.memref_squeeze %dma_wait3A_393 : memref<1x128x64xf32, #tpu.memory_space<vmem>> -> memref<128x64xf32, #tpu.memory_space<vmem>>
      %dma_wait3A_395 = tpu.memref_slice %arg5[%add3A_389] : memref<25600xi32, #tpu.memory_space<vmem>> -> memref<128xi32, #tpu.memory_space<vmem>>
      %dma_wait3A_396 = arith.constant 0 : i32
      %dma_wait3A_397 = arith.constant 0 : i32
      %dma_wait3A_398 = tpu.memref_slice %arg2[%dma_wait3A_396, %dma_wait3A_397] : memref<1000000x64xf32, #tpu.memory_space<hbm>> -> memref<1000000x64xf32, #tpu.memory_space<hbm>>
      tpu.wait_indirect_dma semaphore(%arg8 : memref<!tpu.dma_semaphore, #tpu.memory_space<semaphore_mem>>) src(%dma_wait3A_398 : memref<1000000x64xf32, #tpu.memory_space<hbm>>) dst(%dma_wait3A_394 : memref<128x64xf32, #tpu.memory_space<vmem>>)
      %mul3A_399 = arith.constant 512 : i32
      %mul3A_400 = arith.muli %add3A_372, %mul3A_399 : i32
      %add3A_401 = arith.constant 256 : i32
      %add3A_402 = arith.addi %mul3A_400, %add3A_401 : i32
      %dma_wait3A_403 = arith.constant 1 : i32
      %dma_wait3A_404 = arith.constant 256 : i32
      %dma_wait3A_405 = arith.constant 0 : i32
      %dma_wait3A_406 = tpu.memref_slice %arg6[%dma_wait3A_403, %dma_wait3A_404, %dma_wait3A_405] : memref<2x512x64xf32, #tpu.memory_space<vmem>> -> memref<1x128x64xf32, #tpu.memory_space<vmem>>
      %dma_wait3A_407 = tpu.memref_squeeze %dma_wait3A_406 : memref<1x128x64xf32, #tpu.memory_space<vmem>> -> memref<128x64xf32, #tpu.memory_space<vmem>>
      %dma_wait3A_408 = tpu.memref_slice %arg5[%add3A_402] : memref<25600xi32, #tpu.memory_space<vmem>> -> memref<128xi32, #tpu.memory_space<vmem>>
      %dma_wait3A_409 = arith.constant 0 : i32
      %dma_wait3A_410 = arith.constant 0 : i32
      %dma_wait3A_411 = tpu.memref_slice %arg2[%dma_wait3A_409, %dma_wait3A_410] : memref<1000000x64xf32, #tpu.memory_space<hbm>> -> memref<1000000x64xf32, #tpu.memory_space<hbm>>
      tpu.wait_indirect_dma semaphore(%arg8 : memref<!tpu.dma_semaphore, #tpu.memory_space<semaphore_mem>>) src(%dma_wait3A_411 : memref<1000000x64xf32, #tpu.memory_space<hbm>>) dst(%dma_wait3A_407 : memref<128x64xf32, #tpu.memory_space<vmem>>)
      %mul3A_412 = arith.constant 512 : i32
      %mul3A_413 = arith.muli %add3A_372, %mul3A_412 : i32
      %add3A_414 = arith.constant 384 : i32
      %add3A_415 = arith.addi %mul3A_413, %add3A_414 : i32
      %dma_wait3A_416 = arith.constant 1 : i32
      %dma_wait3A_417 = arith.constant 384 : i32
      %dma_wait3A_418 = arith.constant 0 : i32
      %dma_wait3A_419 = tpu.memref_slice %arg6[%dma_wait3A_416, %dma_wait3A_417, %dma_wait3A_418] : memref<2x512x64xf32, #tpu.memory_space<vmem>> -> memref<1x128x64xf32, #tpu.memory_space<vmem>>
      %dma_wait3A_420 = tpu.memref_squeeze %dma_wait3A_419 : memref<1x128x64xf32, #tpu.memory_space<vmem>> -> memref<128x64xf32, #tpu.memory_space<vmem>>
      %dma_wait3A_421 = tpu.memref_slice %arg5[%add3A_415] : memref<25600xi32, #tpu.memory_space<vmem>> -> memref<128xi32, #tpu.memory_space<vmem>>
      %dma_wait3A_422 = arith.constant 0 : i32
      %dma_wait3A_423 = arith.constant 0 : i32
      %dma_wait3A_424 = tpu.memref_slice %arg2[%dma_wait3A_422, %dma_wait3A_423] : memref<1000000x64xf32, #tpu.memory_space<hbm>> -> memref<1000000x64xf32, #tpu.memory_space<hbm>>
      tpu.wait_indirect_dma semaphore(%arg8 : memref<!tpu.dma_semaphore, #tpu.memory_space<semaphore_mem>>) src(%dma_wait3A_424 : memref<1000000x64xf32, #tpu.memory_space<hbm>>) dst(%dma_wait3A_420 : memref<128x64xf32, #tpu.memory_space<vmem>>)
      %mul3A_425 = arith.constant 512 : i32
      %mul3A_426 = arith.muli %add3A_372, %mul3A_425 : i32
      %add3A_427 = arith.addi %mul3A_2, %mul3A_426 : i32
      %dma_start3A_428 = arith.constant 1 : i32
      %dma_start3A_429 = arith.constant 0 : i32
      %dma_start3A_430 = arith.constant 0 : i32
      %dma_start3A_431 = tpu.memref_slice %arg6[%dma_start3A_428, %dma_start3A_429, %dma_start3A_430] : memref<2x512x64xf32, #tpu.memory_space<vmem>> -> memref<1x512x64xf32, #tpu.memory_space<vmem>>
      %dma_start3A_432 = tpu.memref_squeeze %dma_start3A_431 : memref<1x512x64xf32, #tpu.memory_space<vmem>> -> memref<512x64xf32, #tpu.memory_space<vmem>>
      %dma_start3A_433 = arith.constant 0 : i32
      %dma_start3A_434 = tpu.memref_slice %arg4[%add3A_427, %dma_start3A_433] : memref<819200x64xf32, #tpu.memory_space<hbm>> -> memref<512x64xf32, #tpu.memory_space<hbm>>
      %dma_start3A_435 = arith.constant 0 : i32
      %dma_start3A_436 = tpu.memref_slice %arg4[%add3A_427, %dma_start3A_435] : memref<819200x64xf32, #tpu.memory_space<hbm>> -> memref<512x64xf32, #tpu.memory_space<hbm>>
      %dma_start3A_437 = arith.constant 0 : i32
      %dma_start3A_438 = arith.constant 0 : i32
      %dma_start3A_439 = tpu.memref_slice %arg6[%dma_start3A_428, %dma_start3A_437, %dma_start3A_438] : memref<2x512x64xf32, #tpu.memory_space<vmem>> -> memref<1x512x64xf32, #tpu.memory_space<vmem>>
      %dma_start3A_440 = tpu.memref_squeeze %dma_start3A_439 : memref<1x512x64xf32, #tpu.memory_space<vmem>> -> memref<512x64xf32, #tpu.memory_space<vmem>>
      tpu.enqueue_dma source(%dma_start3A_440 : memref<512x64xf32, #tpu.memory_space<vmem>>) target(%dma_start3A_436 : memref<512x64xf32, #tpu.memory_space<hbm>>) target_semaphore(%arg10 : memref<!tpu.dma_semaphore, #tpu.memory_space<semaphore_mem>>)
      %mul3A_441 = arith.constant 512 : i32
      %mul3A_442 = arith.muli %add3A_372, %mul3A_441 : i32
      %add3A_443 = arith.addi %mul3A_2, %mul3A_442 : i32
      %dma_wait3A_444 = arith.constant 1 : i32
      %dma_wait3A_445 = arith.constant 0 : i32
      %dma_wait3A_446 = arith.constant 0 : i32
      %dma_wait3A_447 = tpu.memref_slice %arg6[%dma_wait3A_444, %dma_wait3A_445, %dma_wait3A_446] : memref<2x512x64xf32, #tpu.memory_space<vmem>> -> memref<1x512x64xf32, #tpu.memory_space<vmem>>
      %dma_wait3A_448 = tpu.memref_squeeze %dma_wait3A_447 : memref<1x512x64xf32, #tpu.memory_space<vmem>> -> memref<512x64xf32, #tpu.memory_space<vmem>>
      %dma_wait3A_449 = arith.constant 0 : i32
      %dma_wait3A_450 = tpu.memref_slice %arg4[%add3A_443, %dma_wait3A_449] : memref<819200x64xf32, #tpu.memory_space<hbm>> -> memref<512x64xf32, #tpu.memory_space<hbm>>
      %dma_wait3A_451 = arith.constant 0 : i32
      %dma_wait3A_452 = tpu.memref_slice %arg4[%add3A_443, %dma_wait3A_451] : memref<819200x64xf32, #tpu.memory_space<hbm>> -> memref<512x64xf32, #tpu.memory_space<hbm>>
      %dma_wait3A_453 = arith.constant 0 : i32
      %dma_wait3A_454 = arith.constant 0 : i32
      %dma_wait3A_455 = tpu.memref_slice %arg6[%dma_wait3A_444, %dma_wait3A_453, %dma_wait3A_454] : memref<2x512x64xf32, #tpu.memory_space<vmem>> -> memref<1x512x64xf32, #tpu.memory_space<vmem>>
      %dma_wait3A_456 = tpu.memref_squeeze %dma_wait3A_455 : memref<1x512x64xf32, #tpu.memory_space<vmem>> -> memref<512x64xf32, #tpu.memory_space<vmem>>
      tpu.wait_dma2 semaphore(%arg10 : memref<!tpu.dma_semaphore, #tpu.memory_space<semaphore_mem>>) src(%dma_wait3A_456 : memref<512x64xf32, #tpu.memory_space<vmem>>) dst(%dma_wait3A_452 : memref<512x64xf32, #tpu.memory_space<hbm>>)
      %add3A_457 = arith.constant 2 : i32
      %add3A_458 = arith.addi %add3A_372, %add3A_457 : i32
      %mul3A_459 = arith.constant 512 : i32
      %mul3A_460 = arith.muli %add3A_458, %mul3A_459 : i32
      %add3A_461 = arith.constant 0 : i32
      %add3A_462 = arith.addi %mul3A_460, %add3A_461 : i32
      %dma_start3A_463 = arith.constant 1 : i32
      %dma_start3A_464 = arith.constant 0 : i32
      %dma_start3A_465 = arith.constant 0 : i32
      %dma_start3A_466 = tpu.memref_slice %arg6[%dma_start3A_463, %dma_start3A_464, %dma_start3A_465] : memref<2x512x64xf32, #tpu.memory_space<vmem>> -> memref<1x128x64xf32, #tpu.memory_space<vmem>>
      %dma_start3A_467 = tpu.memref_squeeze %dma_start3A_466 : memref<1x128x64xf32, #tpu.memory_space<vmem>> -> memref<128x64xf32, #tpu.memory_space<vmem>>
      %dma_start3A_468 = tpu.memref_slice %arg5[%add3A_462] : memref<25600xi32, #tpu.memory_space<vmem>> -> memref<128xi32, #tpu.memory_space<vmem>>
      %dma_start3A_469 = arith.constant 0 : i32
      %dma_start3A_470 = arith.constant 0 : i32
      %dma_start3A_471 = tpu.memref_slice %arg2[%dma_start3A_469, %dma_start3A_470] : memref<1000000x64xf32, #tpu.memory_space<hbm>> -> memref<1000000x64xf32, #tpu.memory_space<hbm>>
      tpu.enqueue_indirect_dma source(%dma_start3A_471 : memref<1000000x64xf32, #tpu.memory_space<hbm>>) target(%dma_start3A_467 : memref<128x64xf32, #tpu.memory_space<vmem>>) offsets(%dma_start3A_468 : memref<128xi32, #tpu.memory_space<vmem>>) semaphore(%arg8 : memref<!tpu.dma_semaphore, #tpu.memory_space<semaphore_mem>>)
      %mul3A_472 = arith.constant 512 : i32
      %mul3A_473 = arith.muli %add3A_458, %mul3A_472 : i32
      %add3A_474 = arith.constant 128 : i32
      %add3A_475 = arith.addi %mul3A_473, %add3A_474 : i32
      %dma_start3A_476 = arith.constant 1 : i32
      %dma_start3A_477 = arith.constant 128 : i32
      %dma_start3A_478 = arith.constant 0 : i32
      %dma_start3A_479 = tpu.memref_slice %arg6[%dma_start3A_476, %dma_start3A_477, %dma_start3A_478] : memref<2x512x64xf32, #tpu.memory_space<vmem>> -> memref<1x128x64xf32, #tpu.memory_space<vmem>>
      %dma_start3A_480 = tpu.memref_squeeze %dma_start3A_479 : memref<1x128x64xf32, #tpu.memory_space<vmem>> -> memref<128x64xf32, #tpu.memory_space<vmem>>
      %dma_start3A_481 = tpu.memref_slice %arg5[%add3A_475] : memref<25600xi32, #tpu.memory_space<vmem>> -> memref<128xi32, #tpu.memory_space<vmem>>
      %dma_start3A_482 = arith.constant 0 : i32
      %dma_start3A_483 = arith.constant 0 : i32
      %dma_start3A_484 = tpu.memref_slice %arg2[%dma_start3A_482, %dma_start3A_483] : memref<1000000x64xf32, #tpu.memory_space<hbm>> -> memref<1000000x64xf32, #tpu.memory_space<hbm>>
      tpu.enqueue_indirect_dma source(%dma_start3A_484 : memref<1000000x64xf32, #tpu.memory_space<hbm>>) target(%dma_start3A_480 : memref<128x64xf32, #tpu.memory_space<vmem>>) offsets(%dma_start3A_481 : memref<128xi32, #tpu.memory_space<vmem>>) semaphore(%arg8 : memref<!tpu.dma_semaphore, #tpu.memory_space<semaphore_mem>>)
      %mul3A_485 = arith.constant 512 : i32
      %mul3A_486 = arith.muli %add3A_458, %mul3A_485 : i32
      %add3A_487 = arith.constant 256 : i32
      %add3A_488 = arith.addi %mul3A_486, %add3A_487 : i32
      %dma_start3A_489 = arith.constant 1 : i32
      %dma_start3A_490 = arith.constant 256 : i32
      %dma_start3A_491 = arith.constant 0 : i32
      %dma_start3A_492 = tpu.memref_slice %arg6[%dma_start3A_489, %dma_start3A_490, %dma_start3A_491] : memref<2x512x64xf32, #tpu.memory_space<vmem>> -> memref<1x128x64xf32, #tpu.memory_space<vmem>>
      %dma_start3A_493 = tpu.memref_squeeze %dma_start3A_492 : memref<1x128x64xf32, #tpu.memory_space<vmem>> -> memref<128x64xf32, #tpu.memory_space<vmem>>
      %dma_start3A_494 = tpu.memref_slice %arg5[%add3A_488] : memref<25600xi32, #tpu.memory_space<vmem>> -> memref<128xi32, #tpu.memory_space<vmem>>
      %dma_start3A_495 = arith.constant 0 : i32
      %dma_start3A_496 = arith.constant 0 : i32
      %dma_start3A_497 = tpu.memref_slice %arg2[%dma_start3A_495, %dma_start3A_496] : memref<1000000x64xf32, #tpu.memory_space<hbm>> -> memref<1000000x64xf32, #tpu.memory_space<hbm>>
      tpu.enqueue_indirect_dma source(%dma_start3A_497 : memref<1000000x64xf32, #tpu.memory_space<hbm>>) target(%dma_start3A_493 : memref<128x64xf32, #tpu.memory_space<vmem>>) offsets(%dma_start3A_494 : memref<128xi32, #tpu.memory_space<vmem>>) semaphore(%arg8 : memref<!tpu.dma_semaphore, #tpu.memory_space<semaphore_mem>>)
      %mul3A_498 = arith.constant 512 : i32
      %mul3A_499 = arith.muli %add3A_458, %mul3A_498 : i32
      %add3A_500 = arith.constant 384 : i32
      %add3A_501 = arith.addi %mul3A_499, %add3A_500 : i32
      %dma_start3A_502 = arith.constant 1 : i32
      %dma_start3A_503 = arith.constant 384 : i32
      %dma_start3A_504 = arith.constant 0 : i32
      %dma_start3A_505 = tpu.memref_slice %arg6[%dma_start3A_502, %dma_start3A_503, %dma_start3A_504] : memref<2x512x64xf32, #tpu.memory_space<vmem>> -> memref<1x128x64xf32, #tpu.memory_space<vmem>>
      %dma_start3A_506 = tpu.memref_squeeze %dma_start3A_505 : memref<1x128x64xf32, #tpu.memory_space<vmem>> -> memref<128x64xf32, #tpu.memory_space<vmem>>
      %dma_start3A_507 = tpu.memref_slice %arg5[%add3A_501] : memref<25600xi32, #tpu.memory_space<vmem>> -> memref<128xi32, #tpu.memory_space<vmem>>
      %dma_start3A_508 = arith.constant 0 : i32
      %dma_start3A_509 = arith.constant 0 : i32
      %dma_start3A_510 = tpu.memref_slice %arg2[%dma_start3A_508, %dma_start3A_509] : memref<1000000x64xf32, #tpu.memory_space<hbm>> -> memref<1000000x64xf32, #tpu.memory_space<hbm>>
      tpu.enqueue_indirect_dma source(%dma_start3A_510 : memref<1000000x64xf32, #tpu.memory_space<hbm>>) target(%dma_start3A_506 : memref<128x64xf32, #tpu.memory_space<vmem>>) offsets(%dma_start3A_507 : memref<128xi32, #tpu.memory_space<vmem>>) semaphore(%arg8 : memref<!tpu.dma_semaphore, #tpu.memory_space<semaphore_mem>>)
    }
    %scan3A_86 = arith.constant 24 : i32
    %dma_wait3A = arith.constant 0 : i32
    %dma_wait3A_87 = arith.constant 0 : i32
    %dma_wait3A_88 = arith.constant 0 : i32
    %dma_wait3A_89 = tpu.memref_slice %arg6[%dma_wait3A, %dma_wait3A_87, %dma_wait3A_88] : memref<2x512x64xf32, #tpu.memory_space<vmem>> -> memref<1x128x64xf32, #tpu.memory_space<vmem>>
    %dma_wait3A_90 = tpu.memref_squeeze %dma_wait3A_89 : memref<1x128x64xf32, #tpu.memory_space<vmem>> -> memref<128x64xf32, #tpu.memory_space<vmem>>
    %dma_wait3A_91 = arith.constant 24576 : i32
    %dma_wait3A_92 = tpu.memref_slice %arg5[%dma_wait3A_91] : memref<25600xi32, #tpu.memory_space<vmem>> -> memref<128xi32, #tpu.memory_space<vmem>>
    %dma_wait3A_93 = arith.constant 0 : i32
    %dma_wait3A_94 = arith.constant 0 : i32
    %dma_wait3A_95 = tpu.memref_slice %arg2[%dma_wait3A_93, %dma_wait3A_94] : memref<1000000x64xf32, #tpu.memory_space<hbm>> -> memref<1000000x64xf32, #tpu.memory_space<hbm>>
    tpu.wait_indirect_dma semaphore(%arg7 : memref<!tpu.dma_semaphore, #tpu.memory_space<semaphore_mem>>) src(%dma_wait3A_95 : memref<1000000x64xf32, #tpu.memory_space<hbm>>) dst(%dma_wait3A_90 : memref<128x64xf32, #tpu.memory_space<vmem>>)
    %dma_wait3A_96 = arith.constant 0 : i32
    %dma_wait3A_97 = arith.constant 128 : i32
    %dma_wait3A_98 = arith.constant 0 : i32
    %dma_wait3A_99 = tpu.memref_slice %arg6[%dma_wait3A_96, %dma_wait3A_97, %dma_wait3A_98] : memref<2x512x64xf32, #tpu.memory_space<vmem>> -> memref<1x128x64xf32, #tpu.memory_space<vmem>>
    %dma_wait3A_100 = tpu.memref_squeeze %dma_wait3A_99 : memref<1x128x64xf32, #tpu.memory_space<vmem>> -> memref<128x64xf32, #tpu.memory_space<vmem>>
    %dma_wait3A_101 = arith.constant 24704 : i32
    %dma_wait3A_102 = tpu.memref_slice %arg5[%dma_wait3A_101] : memref<25600xi32, #tpu.memory_space<vmem>> -> memref<128xi32, #tpu.memory_space<vmem>>
    %dma_wait3A_103 = arith.constant 0 : i32
    %dma_wait3A_104 = arith.constant 0 : i32
    %dma_wait3A_105 = tpu.memref_slice %arg2[%dma_wait3A_103, %dma_wait3A_104] : memref<1000000x64xf32, #tpu.memory_space<hbm>> -> memref<1000000x64xf32, #tpu.memory_space<hbm>>
    tpu.wait_indirect_dma semaphore(%arg7 : memref<!tpu.dma_semaphore, #tpu.memory_space<semaphore_mem>>) src(%dma_wait3A_105 : memref<1000000x64xf32, #tpu.memory_space<hbm>>) dst(%dma_wait3A_100 : memref<128x64xf32, #tpu.memory_space<vmem>>)
    %dma_wait3A_106 = arith.constant 0 : i32
    %dma_wait3A_107 = arith.constant 256 : i32
    %dma_wait3A_108 = arith.constant 0 : i32
    %dma_wait3A_109 = tpu.memref_slice %arg6[%dma_wait3A_106, %dma_wait3A_107, %dma_wait3A_108] : memref<2x512x64xf32, #tpu.memory_space<vmem>> -> memref<1x128x64xf32, #tpu.memory_space<vmem>>
    %dma_wait3A_110 = tpu.memref_squeeze %dma_wait3A_109 : memref<1x128x64xf32, #tpu.memory_space<vmem>> -> memref<128x64xf32, #tpu.memory_space<vmem>>
    %dma_wait3A_111 = arith.constant 24832 : i32
    %dma_wait3A_112 = tpu.memref_slice %arg5[%dma_wait3A_111] : memref<25600xi32, #tpu.memory_space<vmem>> -> memref<128xi32, #tpu.memory_space<vmem>>
    %dma_wait3A_113 = arith.constant 0 : i32
    %dma_wait3A_114 = arith.constant 0 : i32
    %dma_wait3A_115 = tpu.memref_slice %arg2[%dma_wait3A_113, %dma_wait3A_114] : memref<1000000x64xf32, #tpu.memory_space<hbm>> -> memref<1000000x64xf32, #tpu.memory_space<hbm>>
    tpu.wait_indirect_dma semaphore(%arg7 : memref<!tpu.dma_semaphore, #tpu.memory_space<semaphore_mem>>) src(%dma_wait3A_115 : memref<1000000x64xf32, #tpu.memory_space<hbm>>) dst(%dma_wait3A_110 : memref<128x64xf32, #tpu.memory_space<vmem>>)
    %dma_wait3A_116 = arith.constant 0 : i32
    %dma_wait3A_117 = arith.constant 384 : i32
    %dma_wait3A_118 = arith.constant 0 : i32
    %dma_wait3A_119 = tpu.memref_slice %arg6[%dma_wait3A_116, %dma_wait3A_117, %dma_wait3A_118] : memref<2x512x64xf32, #tpu.memory_space<vmem>> -> memref<1x128x64xf32, #tpu.memory_space<vmem>>
    %dma_wait3A_120 = tpu.memref_squeeze %dma_wait3A_119 : memref<1x128x64xf32, #tpu.memory_space<vmem>> -> memref<128x64xf32, #tpu.memory_space<vmem>>
    %dma_wait3A_121 = arith.constant 24960 : i32
    %dma_wait3A_122 = tpu.memref_slice %arg5[%dma_wait3A_121] : memref<25600xi32, #tpu.memory_space<vmem>> -> memref<128xi32, #tpu.memory_space<vmem>>
    %dma_wait3A_123 = arith.constant 0 : i32
    %dma_wait3A_124 = arith.constant 0 : i32
    %dma_wait3A_125 = tpu.memref_slice %arg2[%dma_wait3A_123, %dma_wait3A_124] : memref<1000000x64xf32, #tpu.memory_space<hbm>> -> memref<1000000x64xf32, #tpu.memory_space<hbm>>
    tpu.wait_indirect_dma semaphore(%arg7 : memref<!tpu.dma_semaphore, #tpu.memory_space<semaphore_mem>>) src(%dma_wait3A_125 : memref<1000000x64xf32, #tpu.memory_space<hbm>>) dst(%dma_wait3A_120 : memref<128x64xf32, #tpu.memory_space<vmem>>)
    %add3A_126 = arith.constant 24576 : i32
    %add3A_127 = arith.addi %mul3A_2, %add3A_126 : i32
    %dma_start3A_128 = arith.constant 0 : i32
    %dma_start3A_129 = arith.constant 0 : i32
    %dma_start3A_130 = arith.constant 0 : i32
    %dma_start3A_131 = tpu.memref_slice %arg6[%dma_start3A_128, %dma_start3A_129, %dma_start3A_130] : memref<2x512x64xf32, #tpu.memory_space<vmem>> -> memref<1x512x64xf32, #tpu.memory_space<vmem>>
    %dma_start3A_132 = tpu.memref_squeeze %dma_start3A_131 : memref<1x512x64xf32, #tpu.memory_space<vmem>> -> memref<512x64xf32, #tpu.memory_space<vmem>>
    %dma_start3A_133 = arith.constant 0 : i32
    %dma_start3A_134 = tpu.memref_slice %arg4[%add3A_127, %dma_start3A_133] : memref<819200x64xf32, #tpu.memory_space<hbm>> -> memref<512x64xf32, #tpu.memory_space<hbm>>
    %dma_start3A_135 = arith.constant 0 : i32
    %dma_start3A_136 = tpu.memref_slice %arg4[%add3A_127, %dma_start3A_135] : memref<819200x64xf32, #tpu.memory_space<hbm>> -> memref<512x64xf32, #tpu.memory_space<hbm>>
    %dma_start3A_137 = arith.constant 0 : i32
    %dma_start3A_138 = arith.constant 0 : i32
    %dma_start3A_139 = tpu.memref_slice %arg6[%dma_start3A_128, %dma_start3A_137, %dma_start3A_138] : memref<2x512x64xf32, #tpu.memory_space<vmem>> -> memref<1x512x64xf32, #tpu.memory_space<vmem>>
    %dma_start3A_140 = tpu.memref_squeeze %dma_start3A_139 : memref<1x512x64xf32, #tpu.memory_space<vmem>> -> memref<512x64xf32, #tpu.memory_space<vmem>>
    tpu.enqueue_dma source(%dma_start3A_140 : memref<512x64xf32, #tpu.memory_space<vmem>>) target(%dma_start3A_136 : memref<512x64xf32, #tpu.memory_space<hbm>>) target_semaphore(%arg9 : memref<!tpu.dma_semaphore, #tpu.memory_space<semaphore_mem>>)
    %dma_wait3A_141 = arith.constant 1 : i32
    %dma_wait3A_142 = arith.constant 0 : i32
    %dma_wait3A_143 = arith.constant 0 : i32
    %dma_wait3A_144 = tpu.memref_slice %arg6[%dma_wait3A_141, %dma_wait3A_142, %dma_wait3A_143] : memref<2x512x64xf32, #tpu.memory_space<vmem>> -> memref<1x128x64xf32, #tpu.memory_space<vmem>>
    %dma_wait3A_145 = tpu.memref_squeeze %dma_wait3A_144 : memref<1x128x64xf32, #tpu.memory_space<vmem>> -> memref<128x64xf32, #tpu.memory_space<vmem>>
    %dma_wait3A_146 = arith.constant 25088 : i32
    %dma_wait3A_147 = tpu.memref_slice %arg5[%dma_wait3A_146] : memref<25600xi32, #tpu.memory_space<vmem>> -> memref<128xi32, #tpu.memory_space<vmem>>
    %dma_wait3A_148 = arith.constant 0 : i32
    %dma_wait3A_149 = arith.constant 0 : i32
    %dma_wait3A_150 = tpu.memref_slice %arg2[%dma_wait3A_148, %dma_wait3A_149] : memref<1000000x64xf32, #tpu.memory_space<hbm>> -> memref<1000000x64xf32, #tpu.memory_space<hbm>>
    tpu.wait_indirect_dma semaphore(%arg8 : memref<!tpu.dma_semaphore, #tpu.memory_space<semaphore_mem>>) src(%dma_wait3A_150 : memref<1000000x64xf32, #tpu.memory_space<hbm>>) dst(%dma_wait3A_145 : memref<128x64xf32, #tpu.memory_space<vmem>>)
    %dma_wait3A_151 = arith.constant 1 : i32
    %dma_wait3A_152 = arith.constant 128 : i32
    %dma_wait3A_153 = arith.constant 0 : i32
    %dma_wait3A_154 = tpu.memref_slice %arg6[%dma_wait3A_151, %dma_wait3A_152, %dma_wait3A_153] : memref<2x512x64xf32, #tpu.memory_space<vmem>> -> memref<1x128x64xf32, #tpu.memory_space<vmem>>
    %dma_wait3A_155 = tpu.memref_squeeze %dma_wait3A_154 : memref<1x128x64xf32, #tpu.memory_space<vmem>> -> memref<128x64xf32, #tpu.memory_space<vmem>>
    %dma_wait3A_156 = arith.constant 25216 : i32
    %dma_wait3A_157 = tpu.memref_slice %arg5[%dma_wait3A_156] : memref<25600xi32, #tpu.memory_space<vmem>> -> memref<128xi32, #tpu.memory_space<vmem>>
    %dma_wait3A_158 = arith.constant 0 : i32
    %dma_wait3A_159 = arith.constant 0 : i32
    %dma_wait3A_160 = tpu.memref_slice %arg2[%dma_wait3A_158, %dma_wait3A_159] : memref<1000000x64xf32, #tpu.memory_space<hbm>> -> memref<1000000x64xf32, #tpu.memory_space<hbm>>
    tpu.wait_indirect_dma semaphore(%arg8 : memref<!tpu.dma_semaphore, #tpu.memory_space<semaphore_mem>>) src(%dma_wait3A_160 : memref<1000000x64xf32, #tpu.memory_space<hbm>>) dst(%dma_wait3A_155 : memref<128x64xf32, #tpu.memory_space<vmem>>)
    %dma_wait3A_161 = arith.constant 1 : i32
    %dma_wait3A_162 = arith.constant 256 : i32
    %dma_wait3A_163 = arith.constant 0 : i32
    %dma_wait3A_164 = tpu.memref_slice %arg6[%dma_wait3A_161, %dma_wait3A_162, %dma_wait3A_163] : memref<2x512x64xf32, #tpu.memory_space<vmem>> -> memref<1x128x64xf32, #tpu.memory_space<vmem>>
    %dma_wait3A_165 = tpu.memref_squeeze %dma_wait3A_164 : memref<1x128x64xf32, #tpu.memory_space<vmem>> -> memref<128x64xf32, #tpu.memory_space<vmem>>
    %dma_wait3A_166 = arith.constant 25344 : i32
    %dma_wait3A_167 = tpu.memref_slice %arg5[%dma_wait3A_166] : memref<25600xi32, #tpu.memory_space<vmem>> -> memref<128xi32, #tpu.memory_space<vmem>>
    %dma_wait3A_168 = arith.constant 0 : i32
    %dma_wait3A_169 = arith.constant 0 : i32
    %dma_wait3A_170 = tpu.memref_slice %arg2[%dma_wait3A_168, %dma_wait3A_169] : memref<1000000x64xf32, #tpu.memory_space<hbm>> -> memref<1000000x64xf32, #tpu.memory_space<hbm>>
    tpu.wait_indirect_dma semaphore(%arg8 : memref<!tpu.dma_semaphore, #tpu.memory_space<semaphore_mem>>) src(%dma_wait3A_170 : memref<1000000x64xf32, #tpu.memory_space<hbm>>) dst(%dma_wait3A_165 : memref<128x64xf32, #tpu.memory_space<vmem>>)
    %dma_wait3A_171 = arith.constant 1 : i32
    %dma_wait3A_172 = arith.constant 384 : i32
    %dma_wait3A_173 = arith.constant 0 : i32
    %dma_wait3A_174 = tpu.memref_slice %arg6[%dma_wait3A_171, %dma_wait3A_172, %dma_wait3A_173] : memref<2x512x64xf32, #tpu.memory_space<vmem>> -> memref<1x128x64xf32, #tpu.memory_space<vmem>>
    %dma_wait3A_175 = tpu.memref_squeeze %dma_wait3A_174 : memref<1x128x64xf32, #tpu.memory_space<vmem>> -> memref<128x64xf32, #tpu.memory_space<vmem>>
    %dma_wait3A_176 = arith.constant 25472 : i32
    %dma_wait3A_177 = tpu.memref_slice %arg5[%dma_wait3A_176] : memref<25600xi32, #tpu.memory_space<vmem>> -> memref<128xi32, #tpu.memory_space<vmem>>
    %dma_wait3A_178 = arith.constant 0 : i32
    %dma_wait3A_179 = arith.constant 0 : i32
    %dma_wait3A_180 = tpu.memref_slice %arg2[%dma_wait3A_178, %dma_wait3A_179] : memref<1000000x64xf32, #tpu.memory_space<hbm>> -> memref<1000000x64xf32, #tpu.memory_space<hbm>>
    tpu.wait_indirect_dma semaphore(%arg8 : memref<!tpu.dma_semaphore, #tpu.memory_space<semaphore_mem>>) src(%dma_wait3A_180 : memref<1000000x64xf32, #tpu.memory_space<hbm>>) dst(%dma_wait3A_175 : memref<128x64xf32, #tpu.memory_space<vmem>>)
    %add3A_181 = arith.constant 25088 : i32
    %add3A_182 = arith.addi %mul3A_2, %add3A_181 : i32
    %dma_start3A_183 = arith.constant 1 : i32
    %dma_start3A_184 = arith.constant 0 : i32
    %dma_start3A_185 = arith.constant 0 : i32
    %dma_start3A_186 = tpu.memref_slice %arg6[%dma_start3A_183, %dma_start3A_184, %dma_start3A_185] : memref<2x512x64xf32, #tpu.memory_space<vmem>> -> memref<1x512x64xf32, #tpu.memory_space<vmem>>
    %dma_start3A_187 = tpu.memref_squeeze %dma_start3A_186 : memref<1x512x64xf32, #tpu.memory_space<vmem>> -> memref<512x64xf32, #tpu.memory_space<vmem>>
    %dma_start3A_188 = arith.constant 0 : i32
    %dma_start3A_189 = tpu.memref_slice %arg4[%add3A_182, %dma_start3A_188] : memref<819200x64xf32, #tpu.memory_space<hbm>> -> memref<512x64xf32, #tpu.memory_space<hbm>>
    %dma_start3A_190 = arith.constant 0 : i32
    %dma_start3A_191 = tpu.memref_slice %arg4[%add3A_182, %dma_start3A_190] : memref<819200x64xf32, #tpu.memory_space<hbm>> -> memref<512x64xf32, #tpu.memory_space<hbm>>
    %dma_start3A_192 = arith.constant 0 : i32
    %dma_start3A_193 = arith.constant 0 : i32
    %dma_start3A_194 = tpu.memref_slice %arg6[%dma_start3A_183, %dma_start3A_192, %dma_start3A_193] : memref<2x512x64xf32, #tpu.memory_space<vmem>> -> memref<1x512x64xf32, #tpu.memory_space<vmem>>
    %dma_start3A_195 = tpu.memref_squeeze %dma_start3A_194 : memref<1x512x64xf32, #tpu.memory_space<vmem>> -> memref<512x64xf32, #tpu.memory_space<vmem>>
    tpu.enqueue_dma source(%dma_start3A_195 : memref<512x64xf32, #tpu.memory_space<vmem>>) target(%dma_start3A_191 : memref<512x64xf32, #tpu.memory_space<hbm>>) target_semaphore(%arg10 : memref<!tpu.dma_semaphore, #tpu.memory_space<semaphore_mem>>)
    %add3A_196 = arith.constant 24576 : i32
    %add3A_197 = arith.addi %mul3A_2, %add3A_196 : i32
    %dma_wait3A_198 = arith.constant 0 : i32
    %dma_wait3A_199 = arith.constant 0 : i32
    %dma_wait3A_200 = arith.constant 0 : i32
    %dma_wait3A_201 = tpu.memref_slice %arg6[%dma_wait3A_198, %dma_wait3A_199, %dma_wait3A_200] : memref<2x512x64xf32, #tpu.memory_space<vmem>> -> memref<1x512x64xf32, #tpu.memory_space<vmem>>
    %dma_wait3A_202 = tpu.memref_squeeze %dma_wait3A_201 : memref<1x512x64xf32, #tpu.memory_space<vmem>> -> memref<512x64xf32, #tpu.memory_space<vmem>>
    %dma_wait3A_203 = arith.constant 0 : i32
    %dma_wait3A_204 = tpu.memref_slice %arg4[%add3A_197, %dma_wait3A_203] : memref<819200x64xf32, #tpu.memory_space<hbm>> -> memref<512x64xf32, #tpu.memory_space<hbm>>
    %dma_wait3A_205 = arith.constant 0 : i32
    %dma_wait3A_206 = tpu.memref_slice %arg4[%add3A_197, %dma_wait3A_205] : memref<819200x64xf32, #tpu.memory_space<hbm>> -> memref<512x64xf32, #tpu.memory_space<hbm>>
    %dma_wait3A_207 = arith.constant 0 : i32
    %dma_wait3A_208 = arith.constant 0 : i32
    %dma_wait3A_209 = tpu.memref_slice %arg6[%dma_wait3A_198, %dma_wait3A_207, %dma_wait3A_208] : memref<2x512x64xf32, #tpu.memory_space<vmem>> -> memref<1x512x64xf32, #tpu.memory_space<vmem>>
    %dma_wait3A_210 = tpu.memref_squeeze %dma_wait3A_209 : memref<1x512x64xf32, #tpu.memory_space<vmem>> -> memref<512x64xf32, #tpu.memory_space<vmem>>
    tpu.wait_dma2 semaphore(%arg9 : memref<!tpu.dma_semaphore, #tpu.memory_space<semaphore_mem>>) src(%dma_wait3A_210 : memref<512x64xf32, #tpu.memory_space<vmem>>) dst(%dma_wait3A_206 : memref<512x64xf32, #tpu.memory_space<hbm>>)
    %add3A_211 = arith.constant 25088 : i32
    %add3A_212 = arith.addi %mul3A_2, %add3A_211 : i32
    %dma_wait3A_213 = arith.constant 1 : i32
    %dma_wait3A_214 = arith.constant 0 : i32
    %dma_wait3A_215 = arith.constant 0 : i32
    %dma_wait3A_216 = tpu.memref_slice %arg6[%dma_wait3A_213, %dma_wait3A_214, %dma_wait3A_215] : memref<2x512x64xf32, #tpu.memory_space<vmem>> -> memref<1x512x64xf32, #tpu.memory_space<vmem>>
    %dma_wait3A_217 = tpu.memref_squeeze %dma_wait3A_216 : memref<1x512x64xf32, #tpu.memory_space<vmem>> -> memref<512x64xf32, #tpu.memory_space<vmem>>
    %dma_wait3A_218 = arith.constant 0 : i32
    %dma_wait3A_219 = tpu.memref_slice %arg4[%add3A_212, %dma_wait3A_218] : memref<819200x64xf32, #tpu.memory_space<hbm>> -> memref<512x64xf32, #tpu.memory_space<hbm>>
    %dma_wait3A_220 = arith.constant 0 : i32
    %dma_wait3A_221 = tpu.memref_slice %arg4[%add3A_212, %dma_wait3A_220] : memref<819200x64xf32, #tpu.memory_space<hbm>> -> memref<512x64xf32, #tpu.memory_space<hbm>>
    %dma_wait3A_222 = arith.constant 0 : i32
    %dma_wait3A_223 = arith.constant 0 : i32
    %dma_wait3A_224 = tpu.memref_slice %arg6[%dma_wait3A_213, %dma_wait3A_222, %dma_wait3A_223] : memref<2x512x64xf32, #tpu.memory_space<vmem>> -> memref<1x512x64xf32, #tpu.memory_space<vmem>>
    %dma_wait3A_225 = tpu.memref_squeeze %dma_wait3A_224 : memref<1x512x64xf32, #tpu.memory_space<vmem>> -> memref<512x64xf32, #tpu.memory_space<vmem>>
    tpu.wait_dma2 semaphore(%arg10 : memref<!tpu.dma_semaphore, #tpu.memory_space<semaphore_mem>>) src(%dma_wait3A_225 : memref<512x64xf32, #tpu.memory_space<vmem>>) dst(%dma_wait3A_221 : memref<512x64xf32, #tpu.memory_space<hbm>>)
    return
  }
}

</mosaic_0001>

<sc_bundles>
// kernel: kernel.3.cloned.1.call-start
scs
__scs_entry_jumppad:
0x0: {  	(pc) =	sbr.rel $0x88, $3  }
0x1: {  	(tag) =	ssettag $0x0;
	lr =	simm.s32 $0x1  }
0x2: {  	[smem:$0x3F9F] =	sst lr;
	_ =	strace $0xD0000000  }
0x3: {  	_ = 	snop  }
0x4: {  	_ = 	snop  }
0x5: {  	_ = 	snop  }
0x6: {  	_ = 	snop  }
0x7: {  	_ = 	snop  }
__scs_overlays_trampoline_lowered:
0x8: {  	[smem:$0x3FAE] =	sst s0  }
0x9: {  	[smem:$0x3FAF] =	sst s1  }
0xa: {  	[smem:$0x3FB0] =	sst s2  }
0xb: {  	[smem:$0x3FB1] =	sst s3  }
0xc: {  	[smem:$0x3FB2] =	sst s4  }
0xd: {  	[smem:$0x3FB3] =	sst s5  }
0xe: {  	[smem:$0x3FB4] =	sst s6  }
0xf: {  	[smem:$0x3FB5] =	sst s7  }
0x10: {  	[smem:$0x3FB6] =	sst s8  }
0x11: {  	[smem:$0x3FB7] =	sst s9;
	s0 =	simm.s32 @!p0 $0x0  }
0x12: {  	s1 =	sld [smem:$0x3F9D];
	s0 =	simm.s32 @p0 $0x1  }
0x13: {  	[smem:$0x3FB8] =	sst s0;
	s0 =	simm.s32 @!p1 $0x0  }
0x14: {  	s2 =	sld [smem:$0x3F9C];
	s0 =	simm.s32 @p1 $0x1  }
0x15: {  	[smem:$0x3FB9] =	sst s0;
	s0 =	simm.s32 @!p2 $0x0  }
0x16: {  	s3 =	sld [smem:$0x3FDB];
	s0 =	simm.s32 @p2 $0x1  }
0x17: {  	s4 =	simm.s32 $0x1BF5;
	[smem:$0x3FBB] =	sst s0  }
0x18: {  	s0 =	sld [smem:$0x3F9E];
	_ =	swait.ge [sflag:s4], $0x0  }
0x19: {  	s7 =	sld [smem:$0x3F9F]  }
0x1a: {  	s8 =	sadd.s32 $0xFFFFE003, lr  }
0x1b: {  	s9 =	sadd.s32 $0xFFFFFEF7, lr;
	s5 =	simm.s32 $0xFFFFFFFF;
	p2 =	slt.u32 s8, $0xFFFFF086  }
0x1c: {  	p1 =	slt.u32 s9, $0xF7A;
	s5 =	simm.s32 @!p2 $0x0  }
0x1d: {  	s5 =	simm.s32 @p1 $0x1;
	p0 =	seq.s32 s7, s2  }
0x1e: {  	s7 =	smul.u32 @!p0 $0xF7A, s2;
	p2 =	seq.s32 @!p0 s5, $0x0  }
0x1f: {  	s9 =	smul.u32 $0xF7A, s1;
	s8 =	simm.s32 @!p0 $0x1BF5;
	p2 =	por !p2, p0  }
0x20: {  	[sflag:s8] =	ssyncset.s32 @!p0 $0xFFFFF086;
	s6 =	sadd.s32 @!p0 s3, s7;
	s7 =	simm.s32 @!p0 $0x108  }
0x21: {  	s3 =	sadd.s32 s3, s9;
	s6 =	sadd.s32 @!p0 $0x88, s6;
	s7 =	simm.s32 @p2 $0x1082  }
0x22: {  	[simem:s7], [sflag:s8] =	dma.local @!p0 [hbm:s6], $0xF7A  }
0x23: {  	s9 =	sor.u32 $0xD0000000, s2;
	s6 =	simm.s32 $0x108;
	_ =	swait.ge @!p0 [sflag:s8], $0x0  }
0x24: {  	s3 =	sadd.s32 $0x88, s3;
	s6 =	simm.s32 @!p1 $0x1082;
	[sflag:s4] =	ssyncset.s32 $0xFFFFF086  }
0x25: {  	[simem:s6], [sflag:s4] =	dma.local [hbm:s3], $0xF7A  }
0x26: {  	[smem:$0x3F9F] =	sst s1;
	(tag) =	ssettag s2;
	_ =	strace s9  }
0x27: {  	s1 =	sld [smem:$0x3FAF]  }
0x28: {  	s2 =	sld [smem:$0x3FB0]  }
0x29: {  	s4 =	sld [smem:$0x3FB2]  }
0x2a: {  	p0 =	seq.s32 s5, $0x0;
	s5 =	sld [smem:$0x3FB3]  }
0x2b: {  	s6 =	sld [smem:$0x3FB4]  }
0x2c: {  	s7 =	sld [smem:$0x3FB5]  }
0x2d: {  	s3 =	simm.s32 $0x108;
	s8 =	sld [smem:$0x3FB6]  }
0x2e: {  	s3 =	simm.s32 @!p0 $0x1082;
	s9 =	sld [smem:$0x3FB7]  }
0x2f: {  	lr =	sadd.s32 s0, s3;
	s0 =	sld [smem:$0x3FAE]  }
0x30: {  	s3 =	sld [smem:$0x3FB1]  }
0x31: {  	[smem:$0x3FBA] =	sst s10  }
0x32: {  	s10 =	sld [smem:$0x3FB8];
	_ =	sdelay $0x3  }
0x33: {  	p0 =	seq.s32 s10, $0x1;
	s10 =	sld [smem:$0x3FBA];
	_ =	sdelay $0x3  }
0x34: {  	[smem:$0x3FBA] =	sst s10  }
0x35: {  	s10 =	sld [smem:$0x3FB9];
	_ =	sdelay $0x3  }
0x36: {  	p1 =	seq.s32 s10, $0x1;
	s10 =	sld [smem:$0x3FBA];
	_ =	sdelay $0x3  }
0x37: {  	[smem:$0x3FBA] =	sst s10  }
0x38: {  	s10 =	sld [smem:$0x3FBB]  }
0x39: {  	_ = 	snop;
	(pc) =	sbr.ind lr, $3  }
0x3a: {  	_ = 	snop  }
0x3b: {  	_ = 	snop  }
0x3c: {  	p2 =	seq.s32 s10, $0x1;
	s10 =	sld [smem:$0x3FBA]  }
0x3d: {  	_ =	shalt  }
0x3e: {  	_ =	shalt  }
0x3f: {  	_ =	shalt  }
0x40: {  	_ =	shalt  }
0x41: {  	_ =	shalt  }
0x42: {  	_ =	shalt  }
0x43: {  	_ =	shalt  }
0x44: {  	_ =	shalt  }
0x45: {  	_ =	shalt  }
0x46: {  	_ =	shalt  }
0x47: {  	_ =	shalt  }
0x48: {  	_ =	shalt  }
0x49: {  	_ =	shalt  }
0x4a: {  	_ =	shalt  }
0x4b: {  	_ =	shalt  }
0x4c: {  	_ =	shalt  }
0x4d: {  	_ =	shalt  }
0x4e: {  	_ =	shalt  }
0x4f: {  	_ =	shalt  }
0x50: {  	_ =	shalt  }
0x51: {  	_ =	shalt  }
0x52: {  	_ =	shalt  }
0x53: {  	_ =	shalt  }
0x54: {  	_ =	shalt  }
0x55: {  	_ =	shalt  }
0x56: {  	_ =	shalt  }
0x57: {  	_ =	shalt  }
0x58: {  	_ =	shalt  }
0x59: {  	_ =	shalt  }
0x5a: {  	_ =	shalt  }
0x5b: {  	_ =	shalt  }
0x5c: {  	_ =	shalt  }
0x5d: {  	_ =	shalt  }
0x5e: {  	_ =	shalt  }
0x5f: {  	_ =	shalt  }
0x60: {  	_ =	shalt  }
0x61: {  	_ =	shalt  }
0x62: {  	_ =	shalt  }
0x63: {  	_ =	shalt  }
0x64: {  	_ =	shalt  }
0x65: {  	_ =	shalt  }
0x66: {  	_ =	shalt  }
0x67: {  	_ =	shalt  }
0x68: {  	_ =	shalt  }
0x69: {  	_ =	shalt  }
0x6a: {  	_ =	shalt  }
0x6b: {  	_ =	shalt  }
0x6c: {  	_ =	shalt  }
0x6d: {  	_ =	shalt  }
0x6e: {  	_ =	shalt  }
0x6f: {  	_ =	shalt  }
0x70: {  	_ =	shalt  }
0x71: {  	_ =	shalt  }
0x72: {  	_ =	shalt  }
0x73: {  	_ =	shalt  }
0x74: {  	_ =	shalt  }
0x75: {  	_ =	shalt  }
0x76: {  	_ =	shalt  }
0x77: {  	_ =	shalt  }
0x78: {  	_ =	shalt  }
0x79: {  	_ =	shalt  }
0x7a: {  	_ =	shalt  }
0x7b: {  	_ =	shalt  }
0x7c: {  	_ =	shalt  }
0x7d: {  	_ =	shalt  }
0x7e: {  	_ =	shalt  }
0x7f: {  	_ =	shalt  }
0x80: {  	_ =	shalt  }
0x81: {  	_ =	shalt  }
0x82: {  	_ =	shalt  }
0x83: {  	_ =	shalt  }
0x84: {  	_ =	shalt  }
0x85: {  	_ =	shalt  }
0x86: {  	_ =	shalt  }
0x87: {  	_ =	shalt  }
.Lfunc_end0:
.L_simem_size_0:
called_computation.1_lowered:
.L_overlay_start_0:
0x88: {  	s2 =	sld [smem:$0x3FD9]  }
0x89: {  	s3 =	sld [smem:$0x3FFE];
	_ =	sdelay $0x1  }
0x8a: {  	s1 =	srdreg.scid  }
0x8b: {  	s0 =	sand.u32 $0x1, s1  }
0x8c: {  	s17 =	sshll.u32 s0, $0xA;
	s2 =	sadd.s32 s3, s2  }
0x8d: {  	s2 =	sadd.s32 s2, s17  }
0x8e: {  	[smem:$0x3FC6] =	sst s2  }
0x8f: {  	_ = 	snop  }
0x90: {  	s2 =	sld [smem:$0x3FD0];
	(tm) =	ssettm $0x1  }
0x91: {  	s18 =	sld [smem:$0x3FFB];
	_ =	sdelay $0x3  }
0x92: {  	_ =	strace s18  }
0x93: {  	s3 =	sld [smem:$0x3FFC];
	_ =	sdelay $0x3  }
0x94: {  	_ =	strace s3  }
0x95: {  	s3 =	sld [smem:$0x3FFD];
	_ =	sdelay $0x3  }
0x96: {  	_ =	strace s3  }
0x97: {  	_ =	strace $0x8FFFFFFF  }
0x98: {  	s19 =	sld [smem:$0x3FDB];
	_ =	sdelay $0x1  }
0x99: {  	s4 =	simm.s32 $_scs_section_size  }
0x9a: {  	s5 =	simm.s32 $_size__tile_overlayer_lowered;
	s6 =	simm.s32 $_tile_overlayer_lowered  }
0x9b: {  	s22 =	simm.s32 $0x1BFF;
	s21 =	sshll.u32 s6, $0x1;
	s3 =	sadd.s32 s4, s19  }
0x9c: {  	s7 =	simm.s32 $0x0;
	s20 =	sshll.u32 s5, $0x1;
	s5 =	sadd.s32 s21, s3  }
0x9d: {  	[timem:s7], [sflag:s22] =	dma.local [hbm:s5], s20  }
0x9e: {  	_ =	swait.ge [sflag:s22], s20  }
0x9f: {  	s4 =	ssub.s32 $0x0, s20;
	[sflag:s22] =	ssyncset.done $0x0  }
0xa0: {  	[sflag:s22] =	ssyncadd.s32 s4;
	_ =	sdelay $0x1  }
0xa1: {  	s23 =	simm.s32 $0x1B8B  }
0xa2: {  	_ =	swait.ge [sflag:s23], $0x1  }
0xa3: {  	[sflag:s23] =	ssyncset.done $0x0  }
0xa4: {  	s25 =	simm.s32 $0x1B8E;
	s24 =	sld [smem:$0x3FFE];
	[sflag:s23] =	ssyncadd.s32 $0xFFFFFFFF  }
0xa5: {  	s26 =	simm.s32 $execute0_lowered;
	[smem:$0x3FD2] =	sst s25  }
0xa6: {  	s5 =	sshll.u32 s26, $0x1;
	_ =	strace $0x80000046;
	[dreg:$0x1] =	wrdreg $0xFFFFFFFF  }
0xa7: {  	s28 =	simm.s32 $_size_execute0_lowered;
	s3 =	sadd.s32 s3, s5;
	[dreg:$0x0] =	wrdreg $0x0  }
0xa8: {  	s5 =	sshll.u32 s28, $0x1;
	[dreg:$0x2] =	wrdreg s3  }
0xa9: {  	[dreg:$0x3] =	wrdreg s5  }
0xaa: {  	[dreg:$0x4] =	wrdreg $0xC0  }
0xab: {  	_ =	task [dreg:s7], $0x5FFFF  }
0xac: {  	[dreg:$0x1] =	wrdreg $0xFFFFFFFF  }
0xad: {  	[dreg:$0x0] =	wrdreg $0x60  }
0xae: {  	[dreg:$0x2] =	wrdreg s24  }
0xaf: {  	[dreg:$0x3] =	wrdreg s2  }
0xb0: {  	[dreg:$0x4] =	wrdreg $0x9  }
0xb1: {  	_ =	task.clear_ibuf [dreg:s7], $0x5FFFF;
	_ =	strace $0x90000046  }
0xb2: {  	s29 =	simm.s32 $0x9;
	_ =	strace $0x80000048  }
0xb3: {  	_ =	swait.ge [sflag:s29], $0x1  }
0xb4: {  	[sflag:s29] =	ssyncadd.s32 $0xFFFFFFFF  }
0xb5: {  	_ =	strace $0x90000048  }
0xb6: {  	_ =	sfence  }
0xb7: {  	s30 =	sld [smem:$0x0];
	_ =	sdelay $0x2  }
0xb8: {  	s31 =	sshll.u32 s1, $0xD;
	s1 =	sshrl.u32 s1, $0x2  }
0xb9: {  	s3 =	sand.u32 $0x4000, s31;
	s1 =	sadd.s32 s1, s30  }
0xba: {  	s0 =	sor.u32 s3, s0;
	s1 =	sshll.u32 s1, $0x11  }
0xbb: {  	s0 =	sor.u32 s1, s0  }
0xbc: {  	s0 =	sadd.s32 $0x8F2B, s0  }
0xbd: {  	[sflag:s0] =	ssyncadd.remote.s32 $0x1  }
0xbe: {  	_ =	sfence.sel $0xFFFF  }
0xbf: {  	[dreg:$0x0] =	wrdreg $0xFFFFFFFF;
	(pc) =	sbr.abs _section_cstart, $3  }
0xc0: {  	[dreg:$0x1] =	wrdreg $0xFFFFFFFF  }
0xc1: {  	_ =	task.clear_ibuf [dreg:s7], $0x2FFFF;
	_ =	strace $0x9FFFFFFF  }
0xc2: {  	(tm) =	ssettm $0x7FFFFFFF  }
0xc3: {  	_ =	shalt  }
tec
execute0_lowered:
.L_overlay_start_1:
0x0: {  	(tag) =	ssettag $0x1  }
0x1: {  	s0 =	rddreg [dreg:$0x0];
	s1 =	srdreg.scid  }
0x2: {  	s9 =	stileid.u32;
	s8 =	rddreg [dreg:$0x1];
	s2 =	simm.s32 $0x0  }
0x3: {  	s11 =	simm.s32 $0x80;
	s12 =	simm.s32 $0x6400;
	s13 =	simm.s32 $0x8400  }
0x4: {  	s15 =	simm.s32 $0xA400;
	s17 =	simm.s32 $0xC400;
	s19 =	simm.s32 $0xE400  }
0x5: {  	s20 =	simm.s32 $0x280;
	s21 =	simm.s32 $0x10400;
	s22 =	simm.s32 $0x300  }
0x6: {  	s28 =	simm.s32 $0x3;
	s29 =	simm.s32 $0x2;
	s6 =	smul.u32 $0x320000, s9  }
0x7: {  	s1 =	sand.u32 $0x1, s1;
	s3 =	sshll.u32 s9, $0x1;
	s9 =	smul.u32 $0xC800, s9  }
0x8: {  	s30 =	simm.s32 $0x4;
	[smem:$0x7FF] =	sst s2;
	s10 =	smul.u32 $0x6400, s1  }
0x9: {  	s3 =	sor.u32 s1, s3;
	s7 =	ssub.s32 $0x2, s1;
	s1 =	smul.u32 $0x190000, s1  }
0xa: {  	s31 =	simm.s32 $0x0;
	_ =	strace $0x80000047;
	s4 =	smul.u32 $0x6400, s3  }
0xb: {  	s5 =	smul.u32 $0x190000, s3;
	s3 =	sadd.s32 $0xF42E00, s0;
	s23 =	sshrl.u32 s7, $0x1  }
0xc: {  	s7 =	ssub.s32 s7, s23;
	s9 =	sadd.s32 s10, s9;
	s1 =	sadd.s32 s1, s6  }
0xd: {  	s10 =	simm.s32 $0x5;
	s23 =	simm.s32 $0x12400;
	s4 =	sshrl.u32 s4, $0x3  }
0xe: {  	s5 =	sshrl.u32 s5, $0x3;
	s9 =	sshll.u32 s9, $0x3;
	s25 =	sshrl.u32 s1, $0x3  }
0xf: {  	s7 =	smax.u32 s7, $0x1;
	s0 =	sadd.s32 s4, s0;
	s24 =	sadd.s32 s8, s5  }
0x10: {  	s26 =	sadd.s32 s9, s8;
	s8 =	sadd.s32 s25, s8;
	s25 =	simm.s32 $0x14400  }
0x11: {  	s4 =	sadd.s32 $0xA00, s0;
	s5 =	sadd.s32 $0x30000, s24;
	s6 =	sadd.s32 $0x31000, s24  }
0x12: {  	s9 =	sadd.s32 $0x1000, s26;
	s24 =	simm.s32 $0x380;
	s26 =	simm.s32 $0x1  }
.LBB2_1:
0x13: {  	[tilespmem:s2], [sflag:$0x5] =	stream.linear.gather [hbm4b:s4+s2], $0x6400, $0x38;
	[tilespmem:$0x16400] =	vst v63  }
0x14: {  	_ =	swait.ge [sflag:s10], $0x6400  }
0x15: {  	[sflag:s10] =	ssyncset.done $0x0  }
0x16: {  	[sflag:s10] =	ssyncadd.s32 $0xFFFF9C00  }
0x17: {  	[tilespmem:s12], [sflag:$0x1] =	stream.indirect.gather [hbm4b:s3+s11], $0x40, s2, s11, $0xb8;
	[tilespmem:$0x16400] =	vst v63  }
0x18: {  	_ = 	snop  }
0x19: {  	[tilespmem:s13], [sflag:$0x1] =	stream.indirect.gather [hbm4b:s3+s11], $0x40, s11, s11, $0xb8;
	[tilespmem:$0x16400] =	vst v63  }
0x1a: {  	s0 =	simm.s32 $0x100  }
0x1b: {  	[tilespmem:s15], [sflag:$0x1] =	stream.indirect.gather [hbm4b:s3+s11], $0x40, s0, s11, $0xb8;
	[tilespmem:$0x16400] =	vst v63  }
0x1c: {  	s18 =	simm.s32 $0x180  }
0x1d: {  	[tilespmem:s17], [sflag:$0x1] =	stream.indirect.gather [hbm4b:s3+s11], $0x40, s18, s11, $0xb8;
	[tilespmem:$0x16400] =	vst v63  }
0x1e: {  	s1 =	simm.s32 $0x200  }
0x1f: {  	[tilespmem:s19], [sflag:$0x2] =	stream.indirect.gather [hbm4b:s3+s11], $0x40, s1, s11, $0xb8;
	[tilespmem:$0x16400] =	vst v63  }
0x20: {  	_ = 	snop  }
0x21: {  	[tilespmem:s21], [sflag:$0x2] =	stream.indirect.gather [hbm4b:s3+s11], $0x40, s20, s11, $0xb8;
	[tilespmem:$0x16400] =	vst v63  }
0x22: {  	_ = 	snop  }
0x23: {  	[tilespmem:s23], [sflag:$0x2] =	stream.indirect.gather [hbm4b:s3+s11], $0x40, s22, s11, $0xb8;
	[tilespmem:$0x16400] =	vst v63  }
0x24: {  	_ = 	snop  }
0x25: {  	[tilespmem:s25], [sflag:$0x2] =	stream.indirect.gather [hbm4b:s3+s11], $0x40, s24, s11, $0xb8;
	[tilespmem:$0x16400] =	vst v63  }
0x26: {  	_ =	swait.ge [sflag:s26], $0x2000  }
0x27: {  	[sflag:s26] =	ssyncset.done $0x0  }
0x28: {  	[sflag:s26] =	ssyncadd.s32 $0xFFFFE000  }
0x29: {  	_ =	swait.ge [sflag:s26], $0x2000  }
0x2a: {  	[sflag:s26] =	ssyncset.done $0x0  }
0x2b: {  	[sflag:s26] =	ssyncadd.s32 $0xFFFFE000  }
0x2c: {  	_ =	swait.ge [sflag:s26], $0x2000  }
0x2d: {  	[sflag:s26] =	ssyncset.done $0x0  }
0x2e: {  	[sflag:s26] =	ssyncadd.s32 $0xFFFFE000  }
0x2f: {  	_ =	swait.ge [sflag:s26], $0x2000  }
0x30: {  	[sflag:s26] =	ssyncset.done $0x0  }
0x31: {  	[sflag:s26] =	ssyncadd.s32 $0xFFFFE000  }
0x32: {  	[hbm4b:s8+s2] =	stream.linear.scatter [tilespmem:s12], [sflag:$0x3], $0x8000, $0x38;
	[tilespmem:$0x16400] =	vst v63  }
0x33: {  	_ =	swait.ge [sflag:s28], $0x8000  }
0x34: {  	[sflag:s28] =	ssyncset.done $0x0  }
0x35: {  	s14 =	simm.s32 $0x400;
	[sflag:s28] =	ssyncadd.s32 $0xFFFF8000  }
0x36: {  	[tilespmem:s12], [sflag:$0x1] =	stream.indirect.gather [hbm4b:s3+s11], $0x40, s14, s11, $0xb8;
	[tilespmem:$0x16400] =	vst v63  }
0x37: {  	s16 =	simm.s32 $0x480  }
0x38: {  	[tilespmem:s13], [sflag:$0x1] =	stream.indirect.gather [hbm4b:s3+s11], $0x40, s16, s11, $0xb8;
	[tilespmem:$0x16400] =	vst v63  }
0x39: {  	s18 =	simm.s32 $0x500  }
0x3a: {  	[tilespmem:s15], [sflag:$0x1] =	stream.indirect.gather [hbm4b:s3+s11], $0x40, s18, s11, $0xb8;
	[tilespmem:$0x16400] =	vst v63  }
0x3b: {  	s1 =	simm.s32 $0x580  }
0x3c: {  	[tilespmem:s17], [sflag:$0x1] =	stream.indirect.gather [hbm4b:s3+s11], $0x40, s1, s11, $0xb8;
	[tilespmem:$0x16400] =	vst v63  }
0x3d: {  	_ =	swait.ge [sflag:s29], $0x2000  }
0x3e: {  	[sflag:s29] =	ssyncset.done $0x0  }
0x3f: {  	[sflag:s29] =	ssyncadd.s32 $0xFFFFE000  }
0x40: {  	_ =	swait.ge [sflag:s29], $0x2000  }
0x41: {  	[sflag:s29] =	ssyncset.done $0x0  }
0x42: {  	[sflag:s29] =	ssyncadd.s32 $0xFFFFE000  }
0x43: {  	_ =	swait.ge [sflag:s29], $0x2000  }
0x44: {  	[sflag:s29] =	ssyncset.done $0x0  }
0x45: {  	[sflag:s29] =	ssyncadd.s32 $0xFFFFE000  }
0x46: {  	_ =	swait.ge [sflag:s29], $0x2000  }
0x47: {  	[sflag:s29] =	ssyncset.done $0x0  }
0x48: {  	[sflag:s29] =	ssyncadd.s32 $0xFFFFE000  }
0x49: {  	[hbm4b:s9+s2] =	stream.linear.scatter [tilespmem:s19], [sflag:$0x4], $0x8000, $0x38;
	[tilespmem:$0x16400] =	vst v63  }
0x4a: {  	_ =	swait.ge [sflag:s30], $0x8000  }
0x4b: {  	[sflag:s30] =	ssyncset.done $0x0  }
0x4c: {  	s14 =	simm.s32 $0x600;
	[sflag:s30] =	ssyncadd.s32 $0xFFFF8000  }
0x4d: {  	[tilespmem:s19], [sflag:$0x2] =	stream.indirect.gather [hbm4b:s3+s11], $0x40, s14, s11, $0xb8;
	[tilespmem:$0x16400] =	vst v63  }
0x4e: {  	s0 =	sadd.s32 $0x2000, s8;
	s16 =	simm.s32 $0x680;
	s18 =	simm.s32 $0x700  }
0x4f: {  	[tilespmem:s21], [sflag:$0x2] =	stream.indirect.gather [hbm4b:s3+s11], $0x40, s16, s11, $0xb8;
	[tilespmem:$0x16400] =	vst v63  }
0x50: {  	s1 =	simm.s32 $0x1000;
	s14 =	sadd.s32 $0x2000, s9;
	s16 =	simm.s32 $0x780  }
0x51: {  	[tilespmem:s23], [sflag:$0x2] =	stream.indirect.gather [hbm4b:s3+s11], $0x40, s18, s11, $0xb8;
	[tilespmem:$0x16400] =	vst v63  }
.LBB2_2:
0x52: {  	[tilespmem:s25], [sflag:$0x2] =	stream.indirect.gather [hbm4b:s3+s11], $0x40, s16, s11, $0xb8;
	[tilespmem:$0x16400] =	vst v63  }
0x53: {  	s16 =	smov.u32 s1  }
0x54: {  	p0 =	sne.s32 s1, $0x17000;
	s1 =	sadd.s32 $0x1000, s1;
	_ =	swait.ge [sflag:s26], $0x2000  }
0x55: {  	[sflag:s26] =	ssyncset.done $0x0  }
0x56: {  	[sflag:s26] =	ssyncadd.s32 $0xFFFFE000  }
0x57: {  	_ =	swait.ge [sflag:s26], $0x2000  }
0x58: {  	[sflag:s26] =	ssyncset.done $0x0  }
0x59: {  	[sflag:s26] =	ssyncadd.s32 $0xFFFFE000  }
0x5a: {  	_ =	swait.ge [sflag:s26], $0x2000  }
0x5b: {  	[sflag:s26] =	ssyncset.done $0x0  }
0x5c: {  	[sflag:s26] =	ssyncadd.s32 $0xFFFFE000  }
0x5d: {  	_ =	swait.ge [sflag:s26], $0x2000  }
0x5e: {  	[sflag:s26] =	ssyncset.done $0x0  }
0x5f: {  	[sflag:s26] =	ssyncadd.s32 $0xFFFFE000  }
0x60: {  	[hbm4b:s0+s2] =	stream.linear.scatter [tilespmem:s12], [sflag:$0x3], $0x8000, $0x38;
	[tilespmem:$0x16400] =	vst v63  }
0x61: {  	_ =	swait.ge [sflag:s28], $0x8000  }
0x62: {  	s16 =	sshra.s32 s16, $0x2;
	[sflag:s28] =	ssyncset.done $0x0  }
0x63: {  	s18 =	sadd.s32 $0x400, s16;
	[sflag:s28] =	ssyncadd.s32 $0xFFFF8000  }
0x64: {  	[tilespmem:s12], [sflag:$0x1] =	stream.indirect.gather [hbm4b:s3+s11], $0x40, s18, s11, $0xb8;
	[tilespmem:$0x16400] =	vst v63  }
0x65: {  	s18 =	sadd.s32 $0x480, s16  }
0x66: {  	[tilespmem:s13], [sflag:$0x1] =	stream.indirect.gather [hbm4b:s3+s11], $0x40, s18, s11, $0xb8;
	[tilespmem:$0x16400] =	vst v63  }
0x67: {  	s18 =	sadd.s32 $0x500, s16  }
0x68: {  	[tilespmem:s15], [sflag:$0x1] =	stream.indirect.gather [hbm4b:s3+s11], $0x40, s18, s11, $0xb8;
	[tilespmem:$0x16400] =	vst v63  }
0x69: {  	s18 =	sadd.s32 $0x580, s16  }
0x6a: {  	[tilespmem:s17], [sflag:$0x1] =	stream.indirect.gather [hbm4b:s3+s11], $0x40, s18, s11, $0xb8;
	[tilespmem:$0x16400] =	vst v63  }
0x6b: {  	_ =	swait.ge [sflag:s29], $0x2000  }
0x6c: {  	[sflag:s29] =	ssyncset.done $0x0  }
0x6d: {  	[sflag:s29] =	ssyncadd.s32 $0xFFFFE000  }
0x6e: {  	_ =	swait.ge [sflag:s29], $0x2000  }
0x6f: {  	[sflag:s29] =	ssyncset.done $0x0  }
0x70: {  	[sflag:s29] =	ssyncadd.s32 $0xFFFFE000  }
0x71: {  	_ =	swait.ge [sflag:s29], $0x2000  }
0x72: {  	[sflag:s29] =	ssyncset.done $0x0  }
0x73: {  	[sflag:s29] =	ssyncadd.s32 $0xFFFFE000  }
0x74: {  	_ =	swait.ge [sflag:s29], $0x2000  }
0x75: {  	[sflag:s29] =	ssyncset.done $0x0  }
0x76: {  	[sflag:s29] =	ssyncadd.s32 $0xFFFFE000  }
0x77: {  	[hbm4b:s14+s2] =	stream.linear.scatter [tilespmem:s19], [sflag:$0x4], $0x8000, $0x38;
	[tilespmem:$0x16400] =	vst v63  }
0x78: {  	_ =	swait.ge [sflag:s30], $0x8000  }
0x79: {  	[sflag:s30] =	ssyncset.done $0x0  }
0x7a: {  	s18 =	sadd.s32 $0x600, s16;
	[sflag:s30] =	ssyncadd.s32 $0xFFFF8000  }
0x7b: {  	[tilespmem:s19], [sflag:$0x2] =	stream.indirect.gather [hbm4b:s3+s11], $0x40, s18, s11, $0xb8;
	[tilespmem:$0x16400] =	vst v63  }
.Ltmp0:
0x7c: {  	s18 =	sadd.s32 $0x680, s16;
	(pc) =	sbr.rel @p0 .LBB2_2-.Ltmp0, $4  }
0x7d: {  	[tilespmem:s21], [sflag:$0x2] =	stream.indirect.gather [hbm4b:s3+s11], $0x40, s18, s11, $0xb8;
	[tilespmem:$0x16400] =	vst v63  }
0x7e: {  	s18 =	sadd.s32 $0x700, s16  }
0x7f: {  	[tilespmem:s23], [sflag:$0x2] =	stream.indirect.gather [hbm4b:s3+s11], $0x40, s18, s11, $0xb8;
	[tilespmem:$0x16400] =	vst v63  }
0x80: {  	s0 =	sadd.s32 $0x2000, s0;
	s14 =	sadd.s32 $0x2000, s14;
	s16 =	sadd.s32 $0x780, s16  }
0x81: {  	[tilespmem:s25], [sflag:$0x2] =	stream.indirect.gather [hbm4b:s3+s11], $0x40, s16, s11, $0xb8;
	[tilespmem:$0x16400] =	vst v63  }
0x82: {  	_ =	swait.ge [sflag:s26], $0x2000  }
0x83: {  	[sflag:s26] =	ssyncset.done $0x0  }
0x84: {  	[sflag:s26] =	ssyncadd.s32 $0xFFFFE000  }
0x85: {  	_ =	swait.ge [sflag:s26], $0x2000  }
0x86: {  	[sflag:s26] =	ssyncset.done $0x0  }
0x87: {  	[sflag:s26] =	ssyncadd.s32 $0xFFFFE000  }
0x88: {  	_ =	swait.ge [sflag:s26], $0x2000  }
0x89: {  	[sflag:s26] =	ssyncset.done $0x0  }
0x8a: {  	[sflag:s26] =	ssyncadd.s32 $0xFFFFE000  }
0x8b: {  	_ =	swait.ge [sflag:s26], $0x2000  }
0x8c: {  	[sflag:s26] =	ssyncset.done $0x0  }
0x8d: {  	[sflag:s26] =	ssyncadd.s32 $0xFFFFE000  }
0x8e: {  	[hbm4b:s5+s2] =	stream.linear.scatter [tilespmem:s12], [sflag:$0x3], $0x8000, $0x38;
	[tilespmem:$0x16400] =	vst v63  }
0x8f: {  	_ =	swait.ge [sflag:s29], $0x2000  }
0x90: {  	[sflag:s29] =	ssyncset.done $0x0  }
0x91: {  	[sflag:s29] =	ssyncadd.s32 $0xFFFFE000  }
0x92: {  	_ =	swait.ge [sflag:s29], $0x2000  }
0x93: {  	[sflag:s29] =	ssyncset.done $0x0  }
0x94: {  	[sflag:s29] =	ssyncadd.s32 $0xFFFFE000  }
0x95: {  	_ =	swait.ge [sflag:s29], $0x2000  }
0x96: {  	[sflag:s29] =	ssyncset.done $0x0  }
0x97: {  	[sflag:s29] =	ssyncadd.s32 $0xFFFFE000  }
0x98: {  	_ =	swait.ge [sflag:s29], $0x2000  }
0x99: {  	[sflag:s29] =	ssyncset.done $0x0  }
0x9a: {  	s31 =	sadd.s32 $0x1, s31;
	[sflag:s29] =	ssyncadd.s32 $0xFFFFE000  }
0x9b: {  	[hbm4b:s6+s2] =	stream.linear.scatter [tilespmem:s19], [sflag:$0x4], $0x8000, $0x38;
	[tilespmem:$0x16400] =	vst v63  }
0x9c: {  	p0 =	sne.s32 s31, s7;
	_ =	swait.ge [sflag:s28], $0x8000  }
.Ltmp1:
0x9d: {  	[sflag:s28] =	ssyncset.done $0x0;
	(pc) =	sbr.rel @p0 .LBB2_1-.Ltmp1, $4  }
0x9e: {  	[sflag:s28] =	ssyncadd.s32 $0xFFFF8000  }
0x9f: {  	_ =	swait.ge [sflag:s30], $0x8000  }
0xa0: {  	[sflag:s30] =	ssyncset.done $0x0  }
0xa1: {  	[sflag:s30] =	ssyncadd.s32 $0xFFFF8000  }
0xa2: {  	_ =	sfence.sel $0x180000  }
0xa3: {  	[bflag:$0x0] =	sbarrier.arrive $0xFFFF  }
0xa4: {  	_ =	strace $0x90000047  }
0xa5: {  	s0 =	stileid.u32;
	[bflag:$0x2] =	sbarrier.arrive $0xFFFF  }
0xa6: {  	p0 =	sne.s32 s0, $0x0;
	s0 =	rddreg [dreg:$0x2]  }
0xa7: {  	s0 =	sadd.s32 @!p0 $0x100000, s0  }
0xa8: {  	[sflag:s0] =	ssyncadd.tile.s32 @!p0 $0x1;
	_ =	shalt  }
.Lfunc_end2:
_tile_overlayer_lowered:
.L_overlay_start_2:
0xa9: {  	(tag) =	ssettag $0x2  }
0xaa: {  	s0 =	rddreg [dreg:$0x0];
	s2 =	stileid.u32  }
0xab: {  	s1 =	rddreg [dreg:$0x1];
	p0 =	sne.s32 s2, $0x0  }
0xac: {  	s3 =	rddreg [dreg:$0x2];
	[bflag:$0x3] =	sbarrier.arrive $0xFFFF;
	s2 =	simm.s32 @!p0 $0x1C05  }
0xad: {  	[timem:s3], [sflag:s2] =	dma.local @!p0 [hbm:s0], s1  }
0xae: {  	s0 =	simm.s32 @!p0 $0x5  }
0xaf: {  	_ =	swait.ge @!p0 [sflag:s0], s1  }
0xb0: {  	s1 =	ssub.s32 @!p0 $0x0, s1;
	[sflag:s0] =	ssyncset.done @!p0 $0x0  }
0xb1: {  	[sflag:s0] =	ssyncadd.s32 @!p0 s1  }
0xb2: {  	[bflag:$0x3] =	sbarrier.arrive $0xFFFF  }
0xb3: {  	_ =	shalt  }

// kernel: sparse-core-data-format-call.cloned.1.call-start
scs
called_computation_lowered:
.L_overlay_start_0:
0x0: {  	s2 =	sld [smem:$0x3FD9]  }
0x1: {  	s3 =	sld [smem:$0x3FFE];
	_ =	sdelay $0x1  }
0x2: {  	s1 =	srdreg.scid  }
0x3: {  	s0 =	sand.u32 $0x1, s1  }
0x4: {  	s18 =	sshll.u32 s0, $0xA;
	s2 =	sadd.s32 s3, s2  }
0x5: {  	s2 =	sadd.s32 s2, s18  }
0x6: {  	[smem:$0x3FC6] =	sst s2  }
0x7: {  	_ = 	snop  }
0x8: {  	s2 =	sld [smem:$0x3FD0];
	(tm) =	ssettm $0x1  }
0x9: {  	s19 =	sld [smem:$0x3FFB];
	_ =	sdelay $0x3  }
0xa: {  	_ =	strace s19  }
0xb: {  	s3 =	sld [smem:$0x3FFC];
	_ =	sdelay $0x3  }
0xc: {  	_ =	strace s3  }
0xd: {  	s3 =	sld [smem:$0x3FFD];
	_ =	sdelay $0x3  }
0xe: {  	_ =	strace s3  }
0xf: {  	_ =	strace $0x8FFFFFFF  }
0x10: {  	s20 =	sld [smem:$0x3FDB];
	_ =	sdelay $0x1  }
0x11: {  	s4 =	simm.s32 $_scs_section_size  }
0x12: {  	s5 =	simm.s32 $_size__tile_overlayer_lowered;
	s6 =	simm.s32 $_tile_overlayer_lowered  }
0x13: {  	s23 =	simm.s32 $0x1BFF;
	s22 =	sshll.u32 s6, $0x1;
	s3 =	sadd.s32 s4, s20  }
0x14: {  	s7 =	simm.s32 $0x0;
	s21 =	sshll.u32 s5, $0x1;
	s5 =	sadd.s32 s22, s3  }
0x15: {  	[timem:s7], [sflag:s23] =	dma.local [hbm:s5], s21  }
0x16: {  	_ =	swait.ge [sflag:s23], s21  }
0x17: {  	s4 =	ssub.s32 $0x0, s21;
	[sflag:s23] =	ssyncset.done $0x0  }
0x18: {  	[sflag:s23] =	ssyncadd.s32 s4;
	_ =	sdelay $0x1  }
0x19: {  	s24 =	simm.s32 $0x1B8B  }
0x1a: {  	_ =	swait.ge [sflag:s24], $0x1  }
0x1b: {  	[sflag:s24] =	ssyncset.done $0x0  }
0x1c: {  	s26 =	simm.s32 $0x1B8E;
	s25 =	sld [smem:$0x3FFE];
	[sflag:s24] =	ssyncadd.s32 $0xFFFFFFFF  }
0x1d: {  	s27 =	simm.s32 $execute0_lowered;
	[smem:$0x3FD2] =	sst s26  }
0x1e: {  	s5 =	sshll.u32 s27, $0x1;
	_ =	strace $0x80000049;
	[dreg:$0x1] =	wrdreg $0xFFFFFFFF  }
0x1f: {  	s28 =	simm.s32 $_size_execute0_lowered;
	s3 =	sadd.s32 s3, s5;
	[dreg:$0x0] =	wrdreg $0x0  }
0x20: {  	s5 =	sshll.u32 s28, $0x1;
	[dreg:$0x2] =	wrdreg s3  }
0x21: {  	[dreg:$0x3] =	wrdreg s5  }
0x22: {  	[dreg:$0x4] =	wrdreg $0xC0  }
0x23: {  	_ =	task [dreg:s7], $0x5FFFF  }
0x24: {  	[dreg:$0x1] =	wrdreg $0xFFFFFFFF  }
0x25: {  	[dreg:$0x0] =	wrdreg $0x60  }
0x26: {  	[dreg:$0x2] =	wrdreg s25  }
0x27: {  	[dreg:$0x3] =	wrdreg s2  }
0x28: {  	[dreg:$0x4] =	wrdreg $0x9  }
0x29: {  	_ =	task.clear_ibuf [dreg:s7], $0x5FFFF;
	_ =	strace $0x90000049  }
0x2a: {  	s29 =	simm.s32 $0x9;
	_ =	strace $0x8000004B  }
0x2b: {  	_ =	swait.ge [sflag:s29], $0x1  }
0x2c: {  	[sflag:s29] =	ssyncadd.s32 $0xFFFFFFFF  }
0x2d: {  	_ =	strace $0x9000004B  }
0x2e: {  	_ =	sfence  }
0x2f: {  	s30 =	sld [smem:$0x0];
	_ =	sdelay $0x2  }
0x30: {  	s31 =	sshll.u32 s1, $0xD;
	s1 =	sshrl.u32 s1, $0x2  }
0x31: {  	s3 =	sand.u32 $0x4000, s31;
	s1 =	sadd.s32 s1, s30  }
0x32: {  	s0 =	sor.u32 s3, s0;
	s1 =	sshll.u32 s1, $0x11  }
0x33: {  	s0 =	sor.u32 s1, s0  }
0x34: {  	s0 =	sadd.s32 $0x8F2B, s0  }
0x35: {  	[sflag:s0] =	ssyncadd.remote.s32 $0x1  }
0x36: {  	_ =	sfence.sel $0xFFFF  }
0x37: {  	[dreg:$0x0] =	wrdreg $0xFFFFFFFF;
	(pc) =	sbr.abs _section_cstart, $3  }
0x38: {  	[dreg:$0x1] =	wrdreg $0xFFFFFFFF  }
0x39: {  	_ =	task.clear_ibuf [dreg:s7], $0x2FFFF;
	_ =	strace $0x9FFFFFFF  }
0x3a: {  	(tm) =	ssettm $0x7FFFFFFF  }
0x3b: {  	_ =	shalt  }
tec
execute0_lowered:
.L_overlay_start_1:
0x0: {  	(tag) =	ssettag $0x1  }
0x1: {  	s0 =	srdreg.scid  }
0x2: {  	s1 =	sshll.u32 s0, $0x4  }
0x3: {  	s0 =	stileid.u32;
	s1 =	sand.u32 $0x10, s1  }
0x4: {  	s1 =	sor.u32 s0, s1  }
0x5: {  	s6 =	rddreg [dreg:$0x0];
	s4 =	simm.s32 $0x1;
	s2 =	sshll.u32 s1, $0x7  }
0x6: {  	s7 =	simm.s32 $0x2;
	s12 =	simm.s32 $0x0;
	s1 =	ssub.s32 $0x1000, s2  }
0x7: {  	s8 =	simm.s32 $0x8000;
	s13 =	simm.s32 $0x0;
	s3 =	sand.u32 $0xF80, s1  }
0x8: {  	s9 =	simm.s32 $0x0;
	s5 =	sshrl.u32 s1, $0xC;
	p0 =	sne.s32 s3, $0x0  }
.Ltmp0:
0x9: {  	s1 =	rddreg [dreg:$0x2];
	s4 =	simm.s32 @!p0 $0x0;
	(pc) =	sbr.rel .LBB1_1-.Ltmp0, $4  }
0xa: {  	s11 =	simm.s32 $0x0;
	s3 =	rddreg [dreg:$0x1];
	s5 =	sadd.s32 s4, s5  }
0xb: {  	_ =	strace $0x8000004A;
	s4 =	simm.s32 $0x1;
	s5 =	smul.u32 $0xC8, s5  }
0xc: {  	s6 =	sadd.s32 $0xA00, s6;
	s10 =	smov.u32 s2;
	[sflag:s4] =	ssyncpa.u1 $0x0  }
0xd: {  	p0 =	por $0x0, $0x0;
	[sflag:s7] =	ssyncpa.u1 $0x0;
	s7 =	sor.u32 $0x1, s5  }
.LBB1_4:
0xe: {  	s16 =	sshll.u32 s13, $0x3;
	s17 =	sand.u32 $0x78, s13  }
0xf: {  	s30 =	sand.u32 $0x7E00, s13;
	s12 =	sshll.u32 s12, $0xF;
	s16 =	sand.u32 $0xC00, s16  }
0x10: {  	[tilespmem:s15+$0x810 ss:$0x81] =	vst.msk $0xffff, v2;
	s31 =	sand.u32 $0x7, s13;
	s16 =	sor.u32 s17, s16;
	s17 =	sadd.s32 s3, s30  }
0x11: {  	[tilespmem:s15+$0x1020 ss:$0x81] =	vst.msk $0xffff, v0;
	s13 =	sshll.u32 s31, $0x12;
	s12 =	sadd.s32 s12, s17;
	s16 =	sshrl.u32 s16, $0x3  }
0x12: {  	[tilespmem:s15+$0x0 ss:$0x81] =	vst.msk $0xffff, v1;
	s13 =	sor.u32 $0x400, s13;
	s12 =	sadd.s32 s16, s12  }
0x13: {  	[hbm4b:s12+s13] =	stream.strided.scatter [tilespmem:s14], [sflag:$0x2], $0x2000, s8, s13, $0x20;
	[tilespmem:$0x8080] =	vst v63  }
.LBB1_5:
0x14: {  	s14 =	sadd.s32 $0x1, s9  }
0x15: {  	s12 =	sadd.s32 $0x1000, s10;
	s16 =	smov.u32 s10;
	p2 =	sgt.s32 s14, $0xC7  }
0x16: {  	s16 =	smov.u32 @p2 s12  }
0x17: {  	s14 =	simm.s32 @p2 $0x0;
	p2 =	sgt.s32 s16, $0xFFF  }
0x18: {  	s16 =	smov.u32 @p2 s2;
	p2 =	sne.s32 s11, s7  }
.Ltmp1:
0x19: {  	p1 =	slt.u32 s11, $0x2;
	(pc) =	sbr.rel @!p2 .LBB1_6-.Ltmp1, $4  }
0x1a: {  	s15 =	simm.s32 @!p1 $0x2  }
0x1b: {  	s13 =	smov.u32 s10;
	p0 =	por !p0, !p0;
	_ =	swait.ge @!p1 [sflag:s15], $0x2000  }
0x1c: {  	s12 =	smov.u32 s9;
	[sflag:s15] =	ssyncset.done @!p1 $0x0;
	s9 =	smov.u32 s14  }
0x1d: {  	s11 =	sadd.s32 $0x1, s11;
	[sflag:s15] =	ssyncadd.s32 @!p1 $0xFFFFE000;
	s10 =	smov.u32 s16  }
.LBB1_1:
0x1e: {  	p1 =	sge.u32 s11, s5  }
0x1f: {  	s14 =	sand.u32 @!p1 $0x1FFFFFF, s9  }
0x20: {  	s15 =	smulhi.u32 @!p1 $0x147AE15, s14;
	_ =	sdelay $0x1  }
0x21: {  	s15 =	smul.u32 @!p1 $0xC8, s15  }
0x22: {  	s16 =	sxor.u32 @!p1 $0xFFFFFFFF, s11;
	s17 =	smul.u32 @!p1 $0xC80, s10  }
0x23: {  	s31 =	sadd.s32 $0xFFFFFFFF, s11;
	s16 =	sshll.u32 @!p1 s16, $0xD;
	s14 =	ssub.s32 @!p1 s14, s15  }
0x24: {  	s15 =	sand.u32 @!p1 $0x2000, s16;
	s16 =	sadd.s32 @!p1 s6, s17;
	s14 =	sshll.u32 @!p1 s14, $0x4  }
0x25: {  	s17 =	simm.s32 @!p1 $0x6400;
	s14 =	sadd.s32 @!p1 s14, s16;
	s16 =	simm.s32 @!p1 $0x40  }
0x26: {  	[tilespmem:s15], [sflag:$0x1] =	stream.strided.gather @!p1 [hbm4b:s14+s16], $0x2000, s17, s16, $0x38;
	[tilespmem:$0x8080] =	vst v63  }
0x27: {  	p1 =	sge.u32 s31, s5  }
.Ltmp2:
0x28: {  	_ = 	snop;
	(pc) =	sbr.rel @p1 .LBB1_5-.Ltmp2, $1  }
0x29: {  	_ =	sdelay $0x3  }
0x2a: {  	s14 =	simm.s32 $0x1  }
0x2b: {  	_ =	swait.ge [sflag:s4], $0x2000;
	s14 =	simm.s32 @!p0 $0x0  }
0x2c: {  	[sflag:s4] =	ssyncset.done $0x0;
	s15 =	sshll.u32 s14, $0xD  }
0x2d: {  	[sflag:s4] =	ssyncadd.s32 $0xFFFFE000;
	s18 =	sor.u32 $0x20, s15  }
0x2e: {  	s14 =	smul.u32 $0x8100, s14;
	v3 =	vld [tilespmem:s18+$0x10]  }
0x2f: {  	s30 =	sand.u32 $0x1, s11;
	v2 =	vld [tilespmem:s18+$0xFFFFFFF0]  }
0x30: {  	s15 =	smul.u32 $0x8100, s30;
	s14 =	sshrl.u32 s14, $0x2;
	v0 =	vld [tilespmem:s18+$0x0]  }
0x31: {  	v1 =	vld [tilespmem:s18+$0xFFFFFFE0];
	s16 =	sor.u32 $0x4000, s14  }
0x32: {  	s31 =	sshrl.u32 s15, $0x2;
	s15 =	sadd.s32 $0x0, s16  }
0x33: {  	s17 =	simm.s32 $0x4;
	s18 =	sadd.s32 $0x40, s18;
	s14 =	sor.u32 $0x4000, s31;
	[tilespmem:s15+$0x1830 ss:$0x81] =	vst.msk $0xffff, v3  }
.LBB1_3:
0x34: {  	v3 =	vld [tilespmem:s18+$0x10];
	p1 =	sne.s32 s17, $0x1FC;
	[tilespmem:s15+$0x810 ss:$0x81] =	vst.msk $0xffff, v2;
	s19 =	smov.u32 s17;
	s17 =	sadd.s32 $0x4, s17  }
.Ltmp3:
0x35: {  	v2 =	vld [tilespmem:s18+$0xFFFFFFF0];
	[tilespmem:s15+$0x1020 ss:$0x81] =	vst.msk $0xffff, v0;
	(pc) =	sbr.rel @p1 .LBB1_3-.Ltmp3, $4  }
0x36: {  	v0 =	vld [tilespmem:s18+$0x0];
	[tilespmem:s15+$0x0 ss:$0x81] =	vst.msk $0xffff, v1  }
0x37: {  	s15 =	sshra.s32 s19, $0x2;
	v1 =	vld [tilespmem:s18+$0xFFFFFFE0]  }
0x38: {  	s15 =	sadd.s32 s15, s16  }
0x39: {  	s18 =	sadd.s32 $0x40, s18;
	[tilespmem:s15+$0x1830 ss:$0x81] =	vst.msk $0xffff, v3  }
.Ltmp4:
0x3a: {  	_ = 	snop;
	(pc) =	sbr.rel .LBB1_4-.Ltmp4, $1  }
0x3b: {  	_ =	sdelay $0x3  }
.LBB1_6:
0x3c: {  	_ =	sfence.sel $0x180000  }
0x3d: {  	s2 =	simm.s32 $0x1;
	[bflag:$0x0] =	sbarrier.arrive $0xFFFF  }
0x3e: {  	s31 =	simm.s32 $0x2;
	[sflag:s2] =	ssyncpa.u1 $0x1  }
0x3f: {  	[sflag:s31] =	ssyncpa.u1 $0x1  }
0x40: {  	p0 =	sne.s32 s0, $0x0;
	_ =	strace $0x9000004A  }
0x41: {  	s0 =	sadd.s32 @!p0 $0x100000, s1;
	[bflag:$0x2] =	sbarrier.arrive $0xFFFF  }
0x42: {  	[sflag:s0] =	ssyncadd.tile.s32 @!p0 $0x1;
	_ =	shalt  }
.Lfunc_end1:
_tile_overlayer_lowered:
.L_overlay_start_2:
0x43: {  	(tag) =	ssettag $0x2  }
0x44: {  	s0 =	rddreg [dreg:$0x0];
	s2 =	stileid.u32  }
0x45: {  	s1 =	rddreg [dreg:$0x1];
	p0 =	sne.s32 s2, $0x0  }
0x46: {  	s3 =	rddreg [dreg:$0x2];
	[bflag:$0x3] =	sbarrier.arrive $0xFFFF;
	s2 =	simm.s32 @!p0 $0x1C01  }
0x47: {  	[timem:s3], [sflag:s2] =	dma.local @!p0 [hbm:s0], s1  }
0x48: {  	s0 =	simm.s32 @!p0 $0x1  }
0x49: {  	_ =	swait.ge @!p0 [sflag:s0], s1  }
0x4a: {  	s1 =	ssub.s32 @!p0 $0x0, s1;
	[sflag:s0] =	ssyncset.done @!p0 $0x0  }
0x4b: {  	[sflag:s0] =	ssyncadd.s32 @!p0 s1  }
0x4c: {  	[bflag:$0x3] =	sbarrier.arrive $0xFFFF  }
0x4d: {  	_ =	shalt  }

</sc_bundles>
